<compile_context>
chip_gen: v7x
topology: tpu7x:2x2x1
jax: 0.10.2.dev20260603
libtpu: 0.0.44.dev20260713+nightly
codegen_flags: <defaults>
</compile_context>

<pallas_src>
import functools
import jax
import jax.numpy as jnp
from jax import lax
from jax.experimental import pallas as pl
from jax.experimental.pallas import tpu as pltpu
from jax.experimental.pallas import tpu_sc as plsc

EPS_BN = 1e-05
F32 = jnp.float32
I32 = jnp.int32


def _sqdist_in_kernel(s, d2):
    m = jax.lax.dot_general(s, d2, (((1,), (0,)), ((), ())),
                            preferred_element_type=F32)
    dist = m * -2.0
    dist = dist + jnp.sum(s * s, axis=1, keepdims=True)
    dist = dist + jnp.sum(d2 * d2, axis=0, keepdims=True)
    return dist


def _index_points(points, idx):
    B = points.shape[0]
    bidx = jnp.arange(B)[:, None, None]
    return points[bidx, idx]


def _ballq_body(c_ref, x2_ref, out_ref, *, r2, nsample):
    c = c_ref[0]
    x2 = x2_ref[0]
    SBLK = c.shape[0]
    N = x2.shape[1]
    NC = N // 128
    dist = _sqdist_in_kernel(c, x2)
    mask = (dist <= r2).astype(F32).reshape(SBLK, NC, 128)
    tri = (jax.lax.broadcasted_iota(I32, (128, 128), 0)
           <= jax.lax.broadcasted_iota(I32, (128, 128), 1)).astype(F32)
    pre = jax.lax.dot_general(mask, tri, (((2,), (0,)), ((), ())),
                              preferred_element_type=F32)
    tchunk = jnp.sum(mask, axis=2)
    tri_s = (jax.lax.broadcasted_iota(I32, (NC, NC), 0)
             < jax.lax.broadcasted_iota(I32, (NC, NC), 1)).astype(F32)
    off = jax.lax.dot_general(tchunk, tri_s, (((1,), (0,)), ((), ())),
                              preferred_element_type=F32)
    cnt = pre + off[:, :, None]
    tot = jnp.sum(tchunk, axis=1, keepdims=True)
    colid = (jax.lax.broadcasted_iota(I32, (SBLK, NC, 128), 1) * 128
             + jax.lax.broadcasted_iota(I32, (SBLK, NC, 128), 2))
    maskb = mask > 0.0
    cols = []
    first = None
    for k in range(nsample):
        sel = jnp.logical_and(maskb, cnt == jnp.float32(k + 1))
        idx = jnp.sum(jnp.sum(jnp.where(sel, colid, 0), axis=2), axis=1)[:, None]
        if k == 0:
            first = idx
            cols.append(idx)
        else:
            valid = tot >= jnp.float32(k + 1)
            cols.append(jnp.where(valid, idx, first))
    out_ref[0] = jnp.concatenate(cols, axis=1) + pl.program_id(0) * N


def _query_ball_point(radius, nsample, xyz2, new_xyz_t):
    B, _, N = xyz2.shape
    S = new_xyz_t.shape[1]
    SBLK = 128
    out = pl.pallas_call(
        functools.partial(_ballq_body, r2=radius ** 2, nsample=nsample),
        grid=(B, S // SBLK),
        in_specs=[
            pl.BlockSpec((1, SBLK, 3), lambda b, i: (b, i, 0)),
            pl.BlockSpec((1, 3, N), lambda b, i: (b, 0, 0)),
        ],
        out_specs=pl.BlockSpec((1, SBLK, nsample), lambda b, i: (b, i, 0)),
        out_shape=jax.ShapeDtypeStruct((B, S, nsample), I32),
    )(new_xyz_t, xyz2)
    return out



def _fps_body(xs_ref, ys_ref, zs_ref, out_ref, cx_ref, cy_ref, cz_ref, *, npoint):
    B, N = xs_ref.shape
    xs = xs_ref[...]
    ys = ys_ref[...]
    zs = zs_ref[...]
    iota = jax.lax.broadcasted_iota(I32, (B, N), 1)
    eye_i = (jax.lax.broadcasted_iota(I32, (B, B), 0)
             == jax.lax.broadcasted_iota(I32, (B, B), 1))
    eye = eye_i.astype(I32)
    eye_f = eye_i.astype(F32)

    def step(t, carry):
        distance, far = carry
        out_ref[pl.ds(t, 1), :] = jnp.sum(far * eye, axis=0, keepdims=True)
        oh = (iota == far).astype(F32)
        cx = jnp.sum(xs * oh, axis=1, keepdims=True)
        cy = jnp.sum(ys * oh, axis=1, keepdims=True)
        cz = jnp.sum(zs * oh, axis=1, keepdims=True)
        cx_ref[pl.ds(t, 1), :] = jnp.sum(cx * eye_f, axis=0, keepdims=True)
        cy_ref[pl.ds(t, 1), :] = jnp.sum(cy * eye_f, axis=0, keepdims=True)
        cz_ref[pl.ds(t, 1), :] = jnp.sum(cz * eye_f, axis=0, keepdims=True)
        dx = xs - cx
        dy = ys - cy
        dz = zs - cz
        d = dx * dx + dy * dy + dz * dz
        distance = jnp.minimum(distance, d)
        m = jnp.max(distance, axis=1, keepdims=True)
        far_new = jnp.min(jnp.where(distance == m, iota, N), axis=1, keepdims=True)
        return (distance, far_new)

    jax.lax.fori_loop(
        0, npoint, step,
        (jnp.full((B, N), 1e10, F32), jnp.zeros((B, 1), I32)))


def _fps_pallas(xyz_t, npoint):
    B, N, _ = xyz_t.shape
    xs = xyz_t[..., 0]
    ys = xyz_t[..., 1]
    zs = xyz_t[..., 2]
    outs = pl.pallas_call(
        functools.partial(_fps_body, npoint=npoint),
        grid=(1,),
        in_specs=[pl.BlockSpec((B, N), lambda i: (0, 0))] * 3,
        out_specs=[pl.BlockSpec((npoint, B), lambda i: (0, 0))] * 4,
        out_shape=[jax.ShapeDtypeStruct((npoint, B), I32)]
        + [jax.ShapeDtypeStruct((npoint, B), F32)] * 3,
    )(xs, ys, zs)
    cidx = jnp.transpose(outs[0], (1, 0))
    new_xyz = jnp.stack(
        [jnp.transpose(o, (1, 0)) for o in outs[1:]], axis=-1)
    return cidx, new_xyz



def _sc_gather(table, idx):
    R, D = table.shape
    T = idx.shape[0]
    NW = 32
    CH = 128
    per_w = T // NW
    n_ch = per_w // CH
    mesh = plsc.VectorSubcoreMesh(core_axis_name="c", subcore_axis_name="s")

    @functools.partial(
        pl.kernel, mesh=mesh,
        out_type=jax.ShapeDtypeStruct((T, D), F32),
        scratch_types=[
            pltpu.VMEM((CH,), I32),
            pltpu.VMEM((CH, D), F32),
            pltpu.SemaphoreType.DMA,
        ],
    )
    def k(table_hbm, idx_hbm, out_hbm, idx_v, rows_v, sem):
        wid = lax.axis_index("s") * 2 + lax.axis_index("c")
        base = wid * per_w

        def body(j, carry):
            off = base + j * CH
            pltpu.sync_copy(idx_hbm.at[pl.ds(off, CH)], idx_v)
            pltpu.async_copy(table_hbm.at[idx_v], rows_v, sem).wait()
            pltpu.sync_copy(rows_v, out_hbm.at[pl.ds(off, CH)])
            return carry

        lax.fori_loop(0, n_ch, body, 0)

    return k(table, idx)



def _sa_mlp_body(*refs, nlayers):
    x_ref = refs[0]
    c_ref = refs[1]
    out_ref = refs[-1]
    x = x_ref[...] - c_ref[...][:, None, :]
    for l in range(nlayers):
        w, b, s, t = refs[2 + 4 * l: 6 + 4 * l]
        x = jax.lax.dot_general(x, w[...], (((2,), (1,)), ((), ())),
                                preferred_element_type=F32)
        x = jnp.maximum(x + b[...], 0.0)
        x = jnp.maximum(x * s[...] + t[...], 0.0)
    out_ref[...] = jnp.max(x, axis=1)


def _sa_mlp_pallas(grouped, cent_pad, p):
    BS, K, CP = grouped.shape
    SBLK = 128
    grid = (BS // SBLK,)
    args = [grouped, cent_pad]
    in_specs = [pl.BlockSpec((SBLK, K, CP), lambda i: (i, 0, 0)),
                pl.BlockSpec((SBLK, CP), lambda i: (i, 0))]
    for li, (w, b, g, bt) in enumerate(p):
        O, CI = w.shape
        if li == 0 and CI != CP:
            w = jnp.zeros((O, CP), F32).at[:, :CI].set(w)
        scale = (g / jnp.sqrt(1.0 + EPS_BN)).reshape(1, 1, O)
        args += [w, b.reshape(1, 1, O), scale, bt.reshape(1, 1, O)]
        in_specs += [
            pl.BlockSpec(w.shape, lambda i: (0, 0)),
            pl.BlockSpec((1, 1, O), lambda i: (0, 0, 0)),
            pl.BlockSpec((1, 1, O), lambda i: (0, 0, 0)),
            pl.BlockSpec((1, 1, O), lambda i: (0, 0, 0)),
        ]
    CO = p[-1][0].shape[0]
    out = pl.pallas_call(
        functools.partial(_sa_mlp_body, nlayers=len(p)),
        grid=grid,
        in_specs=in_specs,
        out_specs=pl.BlockSpec((SBLK, CO), lambda i: (i, 0)),
        out_shape=jax.ShapeDtypeStruct((BS, CO), F32),
    )(*args)
    return out


def _sa_forward(xyz_t, xyz_c, feats_t, npoint, radius, nsample, p):
    B, N, _ = xyz_t.shape
    cidx, new_xyz = _fps_pallas(xyz_t, npoint)
    gi = _query_ball_point(radius, nsample, xyz_c, new_xyz)
    if feats_t is not None:
        CI = 3 + feats_t.shape[2]
        table = jnp.concatenate([xyz_t, feats_t], axis=2).reshape(B * N, CI)
    else:
        CI = 3
        table = xyz_t.reshape(B * N, CI)
    CP = ((CI + 127) // 128) * 128
    if CP != CI:
        table = jnp.concatenate(
            [table, jnp.zeros((B * N, CP - CI), F32)], axis=1)
    rows = _sc_gather(table, gi.reshape(-1))
    cent_pad = jnp.concatenate(
        [new_xyz, jnp.zeros((B, npoint, CP - 3), F32)], axis=2).reshape(-1, CP)
    new_points = _sa_mlp_pallas(
        rows.reshape(B * npoint, nsample, CP), cent_pad, p)
    return new_xyz, new_points.reshape(B, npoint, -1)



def _fp_sel_body(dist_ref, idx_ref, d3_ref):
    dist = dist_ref[0]
    BLK, N2 = dist.shape
    iota = jax.lax.broadcasted_iota(I32, (BLK, N2), 1)
    BIG = jnp.float32(3.4e38)
    idxs = []
    mins = []
    d_cur = dist
    for _ in range(3):
        mn = jnp.min(d_cur, axis=1, keepdims=True)
        ix = jnp.min(jnp.where(d_cur == mn, iota, N2), axis=1, keepdims=True)
        idxs.append(ix)
        mins.append(mn)
        d_cur = jnp.where(iota == ix, BIG, d_cur)
    idx_ref[0] = jnp.concatenate(idxs, axis=1)
    d3_ref[0] = jnp.concatenate(mins, axis=1)


def _fp_select(dists, BLK):
    B, N1, N2 = dists.shape
    idx, d3 = pl.pallas_call(
        _fp_sel_body,
        grid=(B, N1 // BLK),
        in_specs=[pl.BlockSpec((1, BLK, N2), lambda b, i: (b, i, 0))],
        out_specs=[pl.BlockSpec((1, BLK, 3), lambda b, i: (b, i, 0))] * 2,
        out_shape=[jax.ShapeDtypeStruct((B, N1, 3), I32),
                   jax.ShapeDtypeStruct((B, N1, 3), F32)],
    )(dists)
    return idx, d3


def _fp_body(*refs, nlayers, has_p1, has_head, N2):
    i = 0
    idx_ref = refs[i]; i += 1
    w_ref = refs[i]; i += 1
    p2_ref = refs[i]; i += 1
    p1_ref = None
    if has_p1:
        p1_ref = refs[i]; i += 1
    mlp_refs = refs[i:-1]
    out_ref = refs[-1]

    idx = idx_ref[0]
    wgt = w_ref[0]
    BLK = idx.shape[0]
    iota = jax.lax.broadcasted_iota(I32, (BLK, N2), 1)
    M = ((iota == idx[:, 0:1]).astype(F32) * wgt[:, 0:1]
         + (iota == idx[:, 1:2]).astype(F32) * wgt[:, 1:2]
         + (iota == idx[:, 2:3]).astype(F32) * wgt[:, 2:3])
    interp = jax.lax.dot_general(M, p2_ref[0], (((1,), (0,)), ((), ())),
                                 preferred_element_type=F32,
                                 precision=jax.lax.Precision.HIGHEST)
    if has_p1:
        x = jnp.concatenate([interp, p1_ref[0]], axis=1)
    else:
        x = interp

    j = 0
    for l in range(nlayers):
        w, b, sc, sh = mlp_refs[j:j + 4]; j += 4
        x = jax.lax.dot_general(x, w[...], (((1,), (1,)), ((), ())),
                                preferred_element_type=F32) + b[...]
        if sc is not None:
            x = x * sc[...] + sh[...]
        x = jnp.maximum(x, 0.0)
    if has_head:
        hw1, hb1, hs1, ht1, hw2, hb2 = mlp_refs[j:j + 6]
        x = jax.lax.dot_general(x, hw1[...], (((1,), (1,)), ((), ())),
                                preferred_element_type=F32) + hb1[...]
        x = jnp.maximum(x * hs1[...] + ht1[...], 0.0)
        x = jax.lax.dot_general(x, hw2[...], (((1,), (1,)), ((), ())),
                                preferred_element_type=F32) + hb2[...]
    out_ref[0] = x


def _fp_pallas(xyz1_c, xyz2_c, pts2_t, pts1_t, p, head, BLK):
    B = xyz1_c.shape[0]
    N1 = xyz1_c.shape[2]
    N2 = xyz2_c.shape[2]
    C2 = pts2_t.shape[2]
    src = jnp.transpose(xyz1_c, (0, 2, 1))
    dst = jnp.transpose(xyz2_c, (0, 2, 1))
    dists = -2.0 * jnp.matmul(src, jnp.transpose(dst, (0, 2, 1)))
    dists = dists + jnp.sum(src ** 2, axis=-1)[:, :, None]
    dists = dists + jnp.sum(dst ** 2, axis=-1)[:, None, :]
    idx, d3 = _fp_select(dists, BLK)
    dist_recip = 1.0 / (d3 + 1e-08)
    norm = jnp.sum(dist_recip, axis=2, keepdims=True)
    weight = dist_recip / norm

    args = [idx, weight, pts2_t]
    in_specs = [
        pl.BlockSpec((1, BLK, 3), lambda b, i: (b, i, 0)),
        pl.BlockSpec((1, BLK, 3), lambda b, i: (b, i, 0)),
        pl.BlockSpec((1, N2, C2), lambda b, i: (b, 0, 0)),
    ]
    if pts1_t is not None:
        C1 = pts1_t.shape[2]
        args.append(pts1_t)
        in_specs.append(pl.BlockSpec((1, BLK, C1), lambda b, i: (b, i, 0)))

    mlp_has_sc = []
    for (w, b, g, bt) in p:
        O = w.shape[0]
        args += [w, b.reshape(1, O)]
        in_specs += [pl.BlockSpec(w.shape, lambda bb, i: (0, 0)),
                     pl.BlockSpec((1, O), lambda bb, i: (0, 0))]
        if g is not None:
            args += [(g / jnp.sqrt(1.0 + EPS_BN)).reshape(1, O),
                     bt.reshape(1, O)]
            in_specs += [pl.BlockSpec((1, O), lambda bb, i: (0, 0))] * 2
            mlp_has_sc.append(True)
        else:
            mlp_has_sc.append(False)

    if head is not None:
        hw1 = head['conv1_w']
        C = hw1.shape[0]
        hs1 = (head['bn1_g'] / jnp.sqrt(1.0 + EPS_BN)).reshape(1, C)
        hw2 = head['conv2_w']
        O2 = hw2.shape[0]
        OP = 16
        hw2p = jnp.zeros((OP, C), F32).at[:O2].set(hw2)
        hb2p = jnp.zeros((1, OP), F32).at[0, :O2].set(head['conv2_b'])
        args += [hw1, head['conv1_b'].reshape(1, C), hs1,
                 head['bn1_b'].reshape(1, C), hw2p, hb2p]
        in_specs += [
            pl.BlockSpec((C, C), lambda bb, i: (0, 0)),
            pl.BlockSpec((1, C), lambda bb, i: (0, 0)),
            pl.BlockSpec((1, C), lambda bb, i: (0, 0)),
            pl.BlockSpec((1, C), lambda bb, i: (0, 0)),
            pl.BlockSpec((OP, C), lambda bb, i: (0, 0)),
            pl.BlockSpec((1, OP), lambda bb, i: (0, 0)),
        ]
        CO = OP
    else:
        CO = p[-1][0].shape[0]

    def body(*refs):
        _fp_body_dispatch(refs, len(p), pts1_t is not None, head is not None,
                          N2, mlp_has_sc)

    out = pl.pallas_call(
        body,
        grid=(B, N1 // BLK),
        in_specs=in_specs,
        out_specs=pl.BlockSpec((1, BLK, CO), lambda b, i: (b, i, 0)),
        out_shape=jax.ShapeDtypeStruct((B, N1, CO), F32),
    )(*args)
    return out


def _fp_body_dispatch(refs, nlayers, has_p1, has_head, N2, mlp_has_sc):
    i = 0
    base = [refs[i]]; i += 1
    base.append(refs[i]); i += 1
    base.append(refs[i]); i += 1
    if has_p1:
        base.append(refs[i]); i += 1
    mlp = []
    for l in range(nlayers):
        w = refs[i]; b = refs[i + 1]; i += 2
        if mlp_has_sc[l]:
            sc = refs[i]; sh = refs[i + 1]; i += 2
        else:
            sc = None; sh = None
        mlp += [w, b, sc, sh]
    rest = list(refs[i:])
    _fp_body(*(base + mlp + rest), nlayers=nlayers, has_p1=has_p1,
             has_head=has_head, N2=N2)


def kernel(xyz, params):
    xyz_t = jnp.transpose(xyz, (0, 2, 1))
    l1_xyz, l1_pts = _sa_forward(xyz_t, xyz, None, 1024, 0.1, 32, params['sa1'])
    return l1_pts
    l1_xyz_c = jnp.transpose(l1_xyz, (0, 2, 1))
    l2_xyz, l2_pts = _sa_forward(l1_xyz, l1_xyz_c, l1_pts, 256, 0.2, 32,
                                 params['sa2'])
    l2_xyz_c = jnp.transpose(l2_xyz, (0, 2, 1))

    fp1 = _fp_pallas(l1_xyz_c, l2_xyz_c, l2_pts, l1_pts,
                     params['fp1'], None, BLK=256)
    out = _fp_pallas(xyz, l1_xyz_c, fp1, None,
                     params['fp2'], params, BLK=512)
    return out[..., :10]

# --- scband reference (transcript-rebuilt; emitter-appended) ---
"""Pipeline reference for scband-point-net2-seg-46712064311941 (READ-ONLY COPY).

The authoritative reference and input builder live on the scoring server;
editing this copy changes nothing except your own understanding.
"""

import jax, jax.numpy as jnp
import numpy as np

EPS_BN = 1e-05

def square_distance(src, dst):
    dist = -2.0 * jnp.matmul(src, jnp.transpose(dst, (0, 2, 1)))
    dist = dist + jnp.sum(src ** 2, axis=-1)[:, :, None]
    dist = dist + jnp.sum(dst ** 2, axis=-1)[:, None, :]
    return dist

def index_points(points, idx):
    B = points.shape[0]
    bidx = jnp.arange(B)[:, None, None]
    return points[bidx, idx]

def farthest_point_sample(xyz, npoint):
    B, N, _ = xyz.shape
    bidx = jnp.arange(B)
    def step(carry, _):
        distance, farthest = carry
        centroid_xyz = xyz[bidx, farthest][:, None, :]
        dist = jnp.sum((xyz - centroid_xyz) ** 2, axis=-1)
        distance = jnp.minimum(distance, dist)
        new_far = jnp.argmax(distance, axis=1).astype(jnp.int32)
        return (distance, new_far), farthest
    init = (jnp.full((B, N), 1e10, dtype=xyz.dtype), jnp.zeros((B,), dtype=jnp.int32))
    _, cent = jax.lax.scan(step, init, None, length=npoint)
    return jnp.transpose(cent, (1, 0))

def query_ball_point(radius, nsample, xyz, new_xyz):
    B, N, _ = xyz.shape
    S = new_xyz.shape[1]
    sqrdists = square_distance(new_xyz, xyz)
    gi = jnp.broadcast_to(jnp.arange(N, dtype=jnp.int32)[None, None, :], (B, S, N))
    gi = jnp.where(sqrdists > radius ** 2, N, gi)
    gi = jnp.sort(gi, axis=-1)[:, :, :nsample]
    invalid = gi == N
    first = gi[:, :, 0]
    first = jnp.where(first == N, 0, first)
    gi = jnp.where(invalid, first[:, :, None], gi)
    gi = jnp.clip(gi, 0, N - 1)
    return gi

def conv1d(x, w, b):
    return jnp.einsum('oi,bin->bon', w, x) + b[None, :, None]

def conv2d(x, w, b):
    return jnp.einsum('oi,bihw->bohw', w, x) + b[None, :, None, None]

def bn_eval(x, g, bt):
    scale = g / jnp.sqrt(1.0 + EPS_BN)
    if x.ndim == 3:
        return x * scale[None, :, None] + bt[None, :, None]
    return x * scale[None, :, None, None] + bt[None, :, None, None]

def sa_forward(xyz, points, npoint, radius, nsample, p):
    B, _, N = xyz.shape
    xyz_t = jnp.transpose(xyz, (0, 2, 1))
    cidx = farthest_point_sample(xyz_t, npoint)
    new_xyz = xyz_t[jnp.arange(B)[:, None], cidx]
    gi = query_ball_point(radius, nsample, xyz_t, new_xyz)
    grouped_xyz = index_points(xyz_t, gi) - new_xyz[:, :, None, :]
    if points is not None:
        grouped_points = index_points(jnp.transpose(points, (0, 2, 1)), gi)
        new_points = jnp.concatenate([grouped_xyz, grouped_points], axis=-1)
    else:
        new_points = grouped_xyz
    new_points = jnp.transpose(new_points, (0, 3, 2, 1))
    for (w, b, g, bt) in p:
        new_points = jax.nn.relu(conv2d(new_points, w, b))
        new_points = jax.nn.relu(bn_eval(new_points, g, bt))
    new_points = jnp.max(new_points, axis=2)
    return jnp.transpose(new_xyz, (0, 2, 1)), new_points

def fp_forward(xyz1, xyz2, points1, points2, p):
    B, _, N = xyz1.shape
    S = xyz2.shape[2]
    dists = square_distance(jnp.transpose(xyz1, (0, 2, 1)), jnp.transpose(xyz2, (0, 2, 1)))
    idx = jnp.argsort(dists, axis=-1)[:, :, :3]
    d3 = jnp.take_along_axis(dists, idx, axis=-1)
    dist_recip = 1.0 / (d3 + 1e-08)
    norm = jnp.sum(dist_recip, axis=2, keepdims=True)
    weight = dist_recip / norm
    pts2 = jnp.transpose(points2, (0, 2, 1))
    interp = jnp.sum(index_points(pts2, idx) * weight[..., None], axis=2)
    interp = jnp.transpose(interp, (0, 2, 1))
    if points1 is not None:
        x = jnp.concatenate([interp, points1], axis=1)
    else:
        x = interp
    for (w, b, g, bt) in p:
        x = conv1d(x, w, b)
        if g is not None:
            x = bn_eval(x, g, bt)
        x = jax.nn.relu(x)
    return x

def pointnet2_forward(xyz, params):
    l1_xyz, l1_points = sa_forward(xyz, None, 1024, 0.1, 32, params['sa1'])
    l2_xyz, l2_points = sa_forward(l1_xyz, l1_points, 256, 0.2, 32, params['sa2'])
    l1_points = fp_forward(l1_xyz, l2_xyz, l1_points, l2_points, params['fp1'])
    l0_points = fp_forward(xyz, l1_xyz, None, l1_points, params['fp2'])
    x = jax.nn.relu(bn_eval(conv1d(l0_points, params['conv1_w'], params['conv1_b']), params['bn1_g'], params['bn1_b']))
    x = conv1d(x, params['conv2_w'], params['conv2_b'])
    return jnp.transpose(x, (0, 2, 1))

def _mlp_params(key, cin, mlp, with_bn_pattern=None):
    ps = []
    last = cin
    for i, c in enumerate(mlp):
        k = jax.random.fold_in(key, i)
        w = jax.random.normal(k, (c, last), dtype=jnp.float32) * 0.05
        b = jnp.zeros((c,), dtype=jnp.float32)
        has_bn = True if with_bn_pattern is None else with_bn_pattern[i]
        g = jnp.ones((c,), dtype=jnp.float32) if has_bn else None
        bt = jnp.zeros((c,), dtype=jnp.float32) if has_bn else None
        ps.append((w, b, g, bt))
        last = c
    return ps

def setup_inputs(seed: int = 0):
    key = jax.random.key(seed)
    ks = jax.random.split(key, 8)
    xyz = jax.random.uniform(ks[0], (4, 3, 4096), dtype=jnp.float32)
    params = {
        'sa1': _mlp_params(ks[1], 3, [64, 64, 128]),
        'sa2': _mlp_params(ks[2], 131, [128, 128, 256]),
        'fp1': _mlp_params(ks[3], 384, [256, 256], with_bn_pattern=[True, False]),
        'fp2': _mlp_params(ks[4], 256, [256, 128], with_bn_pattern=[True, False]),
        'conv1_w': jax.random.normal(ks[5], (128, 128), dtype=jnp.float32) * 0.05,
        'conv1_b': jnp.zeros((128,), dtype=jnp.float32),
        'bn1_g': jnp.ones((128,), dtype=jnp.float32),
        'bn1_b': jnp.zeros((128,), dtype=jnp.float32),
        'conv2_w': jax.random.normal(ks[6], (10, 128), dtype=jnp.float32) * 0.05,
        'conv2_b': jnp.zeros((10,), dtype=jnp.float32),
    }
    return {'xyz': xyz, 'params': params}

def reference(xyz, params):
    return pointnet2_forward(xyz, params)

if __name__ == "__main__":
    import jax
    _d = setup_inputs()
    print(jax.jit(kernel)(*tuple(_d.values())))

</pallas_src>

<mosaic_0001>
#map = affine_map<(d0, d1) -> (0, 0)>
#map1 = affine_map<(d0, d1) -> (0)>
module attributes {stable_mosaic.version = 14 : i64} {
  func.func @k(%arg0: i32, %arg1: i32, %arg2: memref<16384x128xf32, #tpu.memory_space<hbm>>, %arg3: memref<131072xi32, #tpu.memory_space<hbm>>, %arg4: memref<131072x128xf32, #tpu.memory_space<hbm>>, %arg5: memref<128xi32, #tpu.memory_space<vmem>>, %arg6: memref<128x128xf32, #tpu.memory_space<vmem>>, %arg7: memref<!tpu.dma_semaphore, #tpu.memory_space<semaphore_mem>>) attributes {dimension_semantics = [#tpu.dimension_semantics<core_parallel>, #tpu.dimension_semantics<subcore_parallel>], iteration_bounds = array<i64: 2, 16>, scalar_prefetch = 0 : i64, scratch_operands = 3 : i64, tpu.core_type = #tpu.core_type<sc_vector_subcore>, window_params = [{transform_indices = #map}, {transform_indices = #map1}, {transform_indices = #map}]} {
    %mul3A = arith.constant 2 : i32
    %mul3A_0 = arith.muli %arg1, %mul3A : i32
    %add3A = arith.addi %mul3A_0, %arg0 : i32
    %mul3A_1 = arith.constant 4096 : i32
    %mul3A_2 = arith.muli %add3A, %mul3A_1 : i32
    %scan3A = arith.constant 0 : i32
    %scan3A_3 = arith.constant 0 : i32
    %scan3A_4 = arith.constant 32 : i32
    %scan3A_5 = arith.addi %scan3A_3, %scan3A_4 : i32
    %scan3A_6 = arith.constant 1 : i32
    scf.for %scan3A_8 = %scan3A_3 to %scan3A_5 step %scan3A_6  : i32 {
      %mul3A_9 = arith.constant 128 : i32
      %mul3A_10 = arith.muli %scan3A_8, %mul3A_9 : i32
      %add3A_11 = arith.addi %mul3A_2, %mul3A_10 : i32
      "tpu.region"() ({
        %run_scoped3A = tpu.sem_alloc : memref<!tpu.dma_semaphore, #tpu.memory_space<semaphore_mem>>
        %dma_start3A_16 = tpu.memref_slice %arg3[%add3A_11] : memref<131072xi32, #tpu.memory_space<hbm>> -> memref<128xi32, #tpu.memory_space<hbm>>
        %dma_start3A_17 = tpu.memref_slice %arg3[%add3A_11] : memref<131072xi32, #tpu.memory_space<hbm>> -> memref<128xi32, #tpu.memory_space<hbm>>
        tpu.enqueue_dma source(%dma_start3A_17 : memref<128xi32, #tpu.memory_space<hbm>>) target(%arg5 : memref<128xi32, #tpu.memory_space<vmem>>) target_semaphore(%run_scoped3A : memref<!tpu.dma_semaphore, #tpu.memory_space<semaphore_mem>>)
        %dma_wait3A_18 = tpu.memref_slice %arg3[%add3A_11] : memref<131072xi32, #tpu.memory_space<hbm>> -> memref<128xi32, #tpu.memory_space<hbm>>
        %dma_wait3A_19 = tpu.memref_slice %arg3[%add3A_11] : memref<131072xi32, #tpu.memory_space<hbm>> -> memref<128xi32, #tpu.memory_space<hbm>>
        tpu.wait_dma2 semaphore(%run_scoped3A : memref<!tpu.dma_semaphore, #tpu.memory_space<semaphore_mem>>) src(%dma_wait3A_19 : memref<128xi32, #tpu.memory_space<hbm>>) dst(%arg5 : memref<128xi32, #tpu.memory_space<vmem>>)
        tpu.yield
      }) : () -> ()
      %dma_start3A = arith.constant 0 : i32
      %dma_start3A_12 = arith.constant 0 : i32
      %dma_start3A_13 = tpu.memref_slice %arg2[%dma_start3A, %dma_start3A_12] : memref<16384x128xf32, #tpu.memory_space<hbm>> -> memref<16384x128xf32, #tpu.memory_space<hbm>>
      tpu.enqueue_indirect_dma source(%dma_start3A_13 : memref<16384x128xf32, #tpu.memory_space<hbm>>) target(%arg6 : memref<128x128xf32, #tpu.memory_space<vmem>>) offsets(%arg5 : memref<128xi32, #tpu.memory_space<vmem>>) semaphore(%arg7 : memref<!tpu.dma_semaphore, #tpu.memory_space<semaphore_mem>>)
      %dma_wait3A = arith.constant 0 : i32
      %dma_wait3A_14 = arith.constant 0 : i32
      %dma_wait3A_15 = tpu.memref_slice %arg2[%dma_wait3A, %dma_wait3A_14] : memref<16384x128xf32, #tpu.memory_space<hbm>> -> memref<16384x128xf32, #tpu.memory_space<hbm>>
      tpu.wait_indirect_dma semaphore(%arg7 : memref<!tpu.dma_semaphore, #tpu.memory_space<semaphore_mem>>) src(%dma_wait3A_15 : memref<16384x128xf32, #tpu.memory_space<hbm>>) dst(%arg6 : memref<128x128xf32, #tpu.memory_space<vmem>>)
      "tpu.region"() ({
        %run_scoped3A = tpu.sem_alloc : memref<!tpu.dma_semaphore, #tpu.memory_space<semaphore_mem>>
        %dma_start3A_16 = arith.constant 0 : i32
        %dma_start3A_17 = tpu.memref_slice %arg4[%add3A_11, %dma_start3A_16] : memref<131072x128xf32, #tpu.memory_space<hbm>> -> memref<128x128xf32, #tpu.memory_space<hbm>>
        %dma_start3A_18 = arith.constant 0 : i32
        %dma_start3A_19 = tpu.memref_slice %arg4[%add3A_11, %dma_start3A_18] : memref<131072x128xf32, #tpu.memory_space<hbm>> -> memref<128x128xf32, #tpu.memory_space<hbm>>
        tpu.enqueue_dma source(%arg6 : memref<128x128xf32, #tpu.memory_space<vmem>>) target(%dma_start3A_19 : memref<128x128xf32, #tpu.memory_space<hbm>>) target_semaphore(%run_scoped3A : memref<!tpu.dma_semaphore, #tpu.memory_space<semaphore_mem>>)
        %dma_wait3A_20 = arith.constant 0 : i32
        %dma_wait3A_21 = tpu.memref_slice %arg4[%add3A_11, %dma_wait3A_20] : memref<131072x128xf32, #tpu.memory_space<hbm>> -> memref<128x128xf32, #tpu.memory_space<hbm>>
        %dma_wait3A_22 = arith.constant 0 : i32
        %dma_wait3A_23 = tpu.memref_slice %arg4[%add3A_11, %dma_wait3A_22] : memref<131072x128xf32, #tpu.memory_space<hbm>> -> memref<128x128xf32, #tpu.memory_space<hbm>>
        tpu.wait_dma2 semaphore(%run_scoped3A : memref<!tpu.dma_semaphore, #tpu.memory_space<semaphore_mem>>) src(%arg6 : memref<128x128xf32, #tpu.memory_space<vmem>>) dst(%dma_wait3A_23 : memref<128x128xf32, #tpu.memory_space<hbm>>)
        tpu.yield
      }) : () -> ()
    }
    %scan3A_7 = arith.constant 32 : i32
    return
  }
}

module attributes {stable_mosaic.version = 14 : i64} {
  func.func @_fps_body(%arg0: i32, %arg1: memref<4x4096xf32, #tpu.memory_space<vmem>>, %arg2: memref<4x4096xf32, #tpu.memory_space<vmem>>, %arg3: memref<4x4096xf32, #tpu.memory_space<vmem>>, %arg4: memref<1024x4xi32, #tpu.memory_space<vmem>>, %arg5: memref<1024x4xf32, #tpu.memory_space<vmem>>, %arg6: memref<1024x4xf32, #tpu.memory_space<vmem>>, %arg7: memref<1024x4xf32, #tpu.memory_space<vmem>>) attributes {dimension_semantics = [#tpu.dimension_semantics<arbitrary>], iteration_bounds = array<i64: 1>, scalar_prefetch = 0 : i64, scratch_operands = 0 : i64, tpu.core_type = #tpu.core_type<tc>, window_params = [{pipeline_mode = #tpu.pipeline_mode<synchronous>, transform_indices = @transform_0, window_bounds = array<i64: 4, 4096>}, {pipeline_mode = #tpu.pipeline_mode<synchronous>, transform_indices = @transform_1, window_bounds = array<i64: 4, 4096>}, {pipeline_mode = #tpu.pipeline_mode<synchronous>, transform_indices = @transform_2, window_bounds = array<i64: 4, 4096>}, {pipeline_mode = #tpu.pipeline_mode<synchronous>, transform_indices = @transform_3, window_bounds = array<i64: 1024, 4>}, {pipeline_mode = #tpu.pipeline_mode<synchronous>, transform_indices = @transform_4, window_bounds = array<i64: 1024, 4>}, {pipeline_mode = #tpu.pipeline_mode<synchronous>, transform_indices = @transform_5, window_bounds = array<i64: 1024, 4>}, {pipeline_mode = #tpu.pipeline_mode<synchronous>, transform_indices = @transform_6, window_bounds = array<i64: 1024, 4>}]} {
    %get3A = arith.constant 0 : index
    %get3A_0 = arith.constant 0 : index
    %get3A_1 = vector.load %arg1[%get3A, %get3A_0] : memref<4x4096xf32, #tpu.memory_space<vmem>>, vector<4x4096xf32>
    %get3A_2 = arith.constant 0 : index
    %get3A_3 = arith.constant 0 : index
    %get3A_4 = vector.load %arg2[%get3A_2, %get3A_3] : memref<4x4096xf32, #tpu.memory_space<vmem>>, vector<4x4096xf32>
    %get3A_5 = arith.constant 0 : index
    %get3A_6 = arith.constant 0 : index
    %get3A_7 = vector.load %arg3[%get3A_5, %get3A_6] : memref<4x4096xf32, #tpu.memory_space<vmem>>, vector<4x4096xf32>
    %iota3A = tpu.iota {dimensions = array<i32: 1>} : vector<4x4096xi32>
    %iota3A_8 = tpu.iota {dimensions = array<i32: 0>} : vector<4x4xi32>
    %iota3A_9 = tpu.iota {dimensions = array<i32: 1>} : vector<4x4xi32>
    %eq3A = arith.cmpi eq, %iota3A_8, %iota3A_9 : vector<4x4xi32>
    %convert_element_type3A = arith.extui %eq3A : vector<4x4xi1> to vector<4x4xi32>
    %convert_element_type3A_10 = arith.extui %eq3A : vector<4x4xi1> to vector<4x4xi32>
    %convert_element_type3A_11 = arith.sitofp %convert_element_type3A_10 : vector<4x4xi32> to vector<4x4xf32>
    %broadcast_in_dim3A = arith.constant 1.000000e+10 : f32
    %broadcast_in_dim3A_12 = vector.broadcast %broadcast_in_dim3A : f32 to vector<4x4096xf32>
    %broadcast_in_dim3A_13 = arith.constant 0 : i32
    %broadcast_in_dim3A_14 = vector.broadcast %broadcast_in_dim3A_13 : i32 to vector<4x1xi32>
    %scan3A = arith.constant 0 : i32
    %scan3A_15 = arith.constant 1024 : i32
    %scan3A_16 = arith.addi %scan3A, %scan3A_15 : i32
    %scan3A_17 = arith.constant 1 : i32
    %scan3A_18:2 = scf.for %scan3A_20 = %scan3A to %scan3A_16 step %scan3A_17 iter_args(%scan3A_21 = %broadcast_in_dim3A_12, %scan3A_22 = %broadcast_in_dim3A_14) -> (vector<4x4096xf32>, vector<4x1xi32>)  : i32 {
      %mul3A = vector.broadcast %scan3A_22 : vector<4x1xi32> to vector<4x4xi32>
      %mul3A_23 = arith.muli %mul3A, %convert_element_type3A : vector<4x4xi32>
      %reduce_sum3A = arith.constant dense<0> : vector<4xi32>
      %reduce_sum3A_24 = vector.multi_reduction <add>, %mul3A_23, %reduce_sum3A [0] : vector<4x4xi32> to vector<4xi32>
      %broadcast_in_dim3A_25 = vector.shape_cast %reduce_sum3A_24 : vector<4xi32> to vector<1x4xi32>
      %swap3A = arith.index_cast %scan3A_20 : i32 to index
      %swap3A_26 = arith.constant 0 : index
      %swap3A_27 = vector.load %arg4[%swap3A, %swap3A_26] : memref<1024x4xi32, #tpu.memory_space<vmem>>, vector<1x4xi32>
      tpu.vector_store %arg4[%swap3A, %swap3A_26], %broadcast_in_dim3A_25 {strides = array<i32>} : memref<1024x4xi32, #tpu.memory_space<vmem>>, vector<1x4xi32>,
      %eq3A_28 = vector.broadcast %scan3A_22 : vector<4x1xi32> to vector<4x4096xi32>
      %eq3A_29 = arith.cmpi eq, %iota3A, %eq3A_28 : vector<4x4096xi32>
      %convert_element_type3A_30 = arith.extui %eq3A_29 : vector<4x4096xi1> to vector<4x4096xi32>
      %convert_element_type3A_31 = arith.sitofp %convert_element_type3A_30 : vector<4x4096xi32> to vector<4x4096xf32>
      %mul3A_32 = arith.mulf %get3A_1, %convert_element_type3A_31 : vector<4x4096xf32>
      %reduce_sum3A_33 = arith.constant dense<0.000000e+00> : vector<4xf32>
      %reduce_sum3A_34 = vector.multi_reduction <add>, %mul3A_32, %reduce_sum3A_33 [1] : vector<4x4096xf32> to vector<4xf32>
      %broadcast_in_dim3A_35 = vector.shape_cast %reduce_sum3A_34 : vector<4xf32> to vector<4x1xf32>
      %mul3A_36 = arith.mulf %get3A_4, %convert_element_type3A_31 : vector<4x4096xf32>
      %reduce_sum3A_37 = arith.constant dense<0.000000e+00> : vector<4xf32>
      %reduce_sum3A_38 = vector.multi_reduction <add>, %mul3A_36, %reduce_sum3A_37 [1] : vector<4x4096xf32> to vector<4xf32>
      %broadcast_in_dim3A_39 = vector.shape_cast %reduce_sum3A_38 : vector<4xf32> to vector<4x1xf32>
      %mul3A_40 = arith.mulf %get3A_7, %convert_element_type3A_31 : vector<4x4096xf32>
      %reduce_sum3A_41 = arith.constant dense<0.000000e+00> : vector<4xf32>
      %reduce_sum3A_42 = vector.multi_reduction <add>, %mul3A_40, %reduce_sum3A_41 [1] : vector<4x4096xf32> to vector<4xf32>
      %broadcast_in_dim3A_43 = vector.shape_cast %reduce_sum3A_42 : vector<4xf32> to vector<4x1xf32>
      %mul3A_44 = vector.broadcast %broadcast_in_dim3A_35 : vector<4x1xf32> to vector<4x4xf32>
      %mul3A_45 = arith.mulf %mul3A_44, %convert_element_type3A_11 : vector<4x4xf32>
      %reduce_sum3A_46 = arith.constant dense<0.000000e+00> : vector<4xf32>
      %reduce_sum3A_47 = vector.multi_reduction <add>, %mul3A_45, %reduce_sum3A_46 [0] : vector<4x4xf32> to vector<4xf32>
      %broadcast_in_dim3A_48 = vector.shape_cast %reduce_sum3A_47 : vector<4xf32> to vector<1x4xf32>
      %swap3A_49 = arith.index_cast %scan3A_20 : i32 to index
      %swap3A_50 = arith.constant 0 : index
      %swap3A_51 = vector.load %arg5[%swap3A_49, %swap3A_50] : memref<1024x4xf32, #tpu.memory_space<vmem>>, vector<1x4xf32>
      tpu.vector_store %arg5[%swap3A_49, %swap3A_50], %broadcast_in_dim3A_48 {strides = array<i32>} : memref<1024x4xf32, #tpu.memory_space<vmem>>, vector<1x4xf32>,
      %mul3A_52 = vector.broadcast %broadcast_in_dim3A_39 : vector<4x1xf32> to vector<4x4xf32>
      %mul3A_53 = arith.mulf %mul3A_52, %convert_element_type3A_11 : vector<4x4xf32>
      %reduce_sum3A_54 = arith.constant dense<0.000000e+00> : vector<4xf32>
      %reduce_sum3A_55 = vector.multi_reduction <add>, %mul3A_53, %reduce_sum3A_54 [0] : vector<4x4xf32> to vector<4xf32>
      %broadcast_in_dim3A_56 = vector.shape_cast %reduce_sum3A_55 : vector<4xf32> to vector<1x4xf32>
      %swap3A_57 = arith.index_cast %scan3A_20 : i32 to index
      %swap3A_58 = arith.constant 0 : index
      %swap3A_59 = vector.load %arg6[%swap3A_57, %swap3A_58] : memref<1024x4xf32, #tpu.memory_space<vmem>>, vector<1x4xf32>
      tpu.vector_store %arg6[%swap3A_57, %swap3A_58], %broadcast_in_dim3A_56 {strides = array<i32>} : memref<1024x4xf32, #tpu.memory_space<vmem>>, vector<1x4xf32>,
      %mul3A_60 = vector.broadcast %broadcast_in_dim3A_43 : vector<4x1xf32> to vector<4x4xf32>
      %mul3A_61 = arith.mulf %mul3A_60, %convert_element_type3A_11 : vector<4x4xf32>
      %reduce_sum3A_62 = arith.constant dense<0.000000e+00> : vector<4xf32>
      %reduce_sum3A_63 = vector.multi_reduction <add>, %mul3A_61, %reduce_sum3A_62 [0] : vector<4x4xf32> to vector<4xf32>
      %broadcast_in_dim3A_64 = vector.shape_cast %reduce_sum3A_63 : vector<4xf32> to vector<1x4xf32>
      %swap3A_65 = arith.index_cast %scan3A_20 : i32 to index
      %swap3A_66 = arith.constant 0 : index
      %swap3A_67 = vector.load %arg7[%swap3A_65, %swap3A_66] : memref<1024x4xf32, #tpu.memory_space<vmem>>, vector<1x4xf32>
      tpu.vector_store %arg7[%swap3A_65, %swap3A_66], %broadcast_in_dim3A_64 {strides = array<i32>} : memref<1024x4xf32, #tpu.memory_space<vmem>>, vector<1x4xf32>,
      %sub3A = vector.broadcast %broadcast_in_dim3A_35 : vector<4x1xf32> to vector<4x4096xf32>
      %sub3A_68 = arith.subf %get3A_1, %sub3A : vector<4x4096xf32>
      %sub3A_69 = vector.broadcast %broadcast_in_dim3A_39 : vector<4x1xf32> to vector<4x4096xf32>
      %sub3A_70 = arith.subf %get3A_4, %sub3A_69 : vector<4x4096xf32>
      %sub3A_71 = vector.broadcast %broadcast_in_dim3A_43 : vector<4x1xf32> to vector<4x4096xf32>
      %sub3A_72 = arith.subf %get3A_7, %sub3A_71 : vector<4x4096xf32>
      %mul3A_73 = arith.mulf %sub3A_68, %sub3A_68 : vector<4x4096xf32>
      %mul3A_74 = arith.mulf %sub3A_70, %sub3A_70 : vector<4x4096xf32>
      %add3A = arith.addf %mul3A_73, %mul3A_74 : vector<4x4096xf32>
      %mul3A_75 = arith.mulf %sub3A_72, %sub3A_72 : vector<4x4096xf32>
      %add3A_76 = arith.addf %add3A, %mul3A_75 : vector<4x4096xf32>
      %min3A = arith.minimumf %scan3A_21, %add3A_76 : vector<4x4096xf32>
      %reduce_max3A = arith.constant dense<0xFF800000> : vector<4xf32>
      %reduce_max3A_77 = vector.multi_reduction <maximumf>, %min3A, %reduce_max3A [1] : vector<4x4096xf32> to vector<4xf32>
      %broadcast_in_dim3A_78 = vector.shape_cast %reduce_max3A_77 : vector<4xf32> to vector<4x1xf32>
      %eq3A_79 = vector.broadcast %broadcast_in_dim3A_78 : vector<4x1xf32> to vector<4x4096xf32>
      %eq3A_80 = arith.cmpf oeq, %min3A, %eq3A_79 : vector<4x4096xf32>
      %jit3A = arith.constant 4096 : i32
      %broadcast_in_dim3A_81 = vector.broadcast %jit3A : i32 to vector<4x4096xi32>
      %select_n3A = arith.select %eq3A_80, %iota3A, %broadcast_in_dim3A_81 : vector<4x4096xi1>, vector<4x4096xi32>
      %reduce_min3A = arith.constant dense<2147483647> : vector<4xi32>
      %reduce_min3A_82 = vector.multi_reduction <minsi>, %select_n3A, %reduce_min3A [1] : vector<4x4096xi32> to vector<4xi32>
      %broadcast_in_dim3A_83 = vector.shape_cast %reduce_min3A_82 : vector<4xi32> to vector<4x1xi32>
      scf.yield %min3A, %broadcast_in_dim3A_83 : vector<4x4096xf32>, vector<4x1xi32>
    }
    %scan3A_19 = arith.constant 1024 : i32
    return
  }
  func.func @transform_0(%arg0: i32) -> (i32, i32) {
    %c0_i32 = arith.constant 0 : i32
    %c0_i32_0 = arith.constant 0 : i32
    %c0_i32_1 = arith.constant 0 : i32
    return %c0_i32, %c0_i32_0 : i32, i32
  }
  func.func @transform_1(%arg0: i32) -> (i32, i32) {
    %c0_i32 = arith.constant 0 : i32
    %c0_i32_0 = arith.constant 0 : i32
    %c0_i32_1 = arith.constant 0 : i32
    return %c0_i32, %c0_i32_0 : i32, i32
  }
  func.func @transform_2(%arg0: i32) -> (i32, i32) {
    %c0_i32 = arith.constant 0 : i32
    %c0_i32_0 = arith.constant 0 : i32
    %c0_i32_1 = arith.constant 0 : i32
    return %c0_i32, %c0_i32_0 : i32, i32
  }
  func.func @transform_3(%arg0: i32) -> (i32, i32) {
    %c0_i32 = arith.constant 0 : i32
    %c0_i32_0 = arith.constant 0 : i32
    %c0_i32_1 = arith.constant 0 : i32
    return %c0_i32, %c0_i32_0 : i32, i32
  }
  func.func @transform_4(%arg0: i32) -> (i32, i32) {
    %c0_i32 = arith.constant 0 : i32
    %c0_i32_0 = arith.constant 0 : i32
    %c0_i32_1 = arith.constant 0 : i32
    return %c0_i32, %c0_i32_0 : i32, i32
  }
  func.func @transform_5(%arg0: i32) -> (i32, i32) {
    %c0_i32 = arith.constant 0 : i32
    %c0_i32_0 = arith.constant 0 : i32
    %c0_i32_1 = arith.constant 0 : i32
    return %c0_i32, %c0_i32_0 : i32, i32
  }
  func.func @transform_6(%arg0: i32) -> (i32, i32) {
    %c0_i32 = arith.constant 0 : i32
    %c0_i32_0 = arith.constant 0 : i32
    %c0_i32_1 = arith.constant 0 : i32
    return %c0_i32, %c0_i32_0 : i32, i32
  }
}

module attributes {stable_mosaic.version = 14 : i64} {
  func.func @_ballq_body(%arg0: i32, %arg1: i32, %arg2: memref<1x128x3xf32, #tpu.memory_space<vmem>>, %arg3: memref<1x3x4096xf32, #tpu.memory_space<vmem>>, %arg4: memref<1x128x32xi32, #tpu.memory_space<vmem>>) attributes {dimension_semantics = [#tpu.dimension_semantics<arbitrary>, #tpu.dimension_semantics<arbitrary>], iteration_bounds = array<i64: 4, 8>, scalar_prefetch = 0 : i64, scratch_operands = 0 : i64, tpu.core_type = #tpu.core_type<tc>, window_params = [{transform_indices = @transform_0, window_bounds = array<i64: 1, 128, 3>}, {transform_indices = @transform_1, window_bounds = array<i64: 1, 3, 4096>}, {transform_indices = @transform_2, window_bounds = array<i64: 1, 128, 32>}]} {
    %get3A = arith.constant 0 : index
    %get3A_0 = arith.constant 0 : index
    %get3A_1 = arith.constant 0 : index
    %get3A_2 = vector.load %arg2[%get3A, %get3A_0, %get3A_1] : memref<1x128x3xf32, #tpu.memory_space<vmem>>, vector<1x128x3xf32>
    %get3A_3 = vector.shape_cast %get3A_2 : vector<1x128x3xf32> to vector<128x3xf32>
    %get3A_4 = arith.constant 0 : index
    %get3A_5 = arith.constant 0 : index
    %get3A_6 = arith.constant 0 : index
    %get3A_7 = vector.load %arg3[%get3A_4, %get3A_5, %get3A_6] : memref<1x3x4096xf32, #tpu.memory_space<vmem>>, vector<1x3x4096xf32>
    %get3A_8 = vector.shape_cast %get3A_7 : vector<1x3x4096xf32> to vector<3x4096xf32>
    %dot_general3A = arith.constant dense<0.000000e+00> : vector<128x4096xf32>
    %dot_general3A_9 = tpu.matmul %get3A_3, %get3A_8, %dot_general3A {dimension_numbers = #tpu.dot_dimension_numbers<[1], [0], [0], [1], [0, 0, 1, 1], [], []>, transpose_lhs_hint = false} : vector<128x3xf32>, vector<3x4096xf32>, vector<128x4096xf32> -> vector<128x4096xf32>
    %mul3A = arith.constant -2.000000e+00 : f32
    %mul3A_10 = vector.broadcast %mul3A : f32 to vector<128x4096xf32>
    %mul3A_11 = arith.mulf %dot_general3A_9, %mul3A_10 : vector<128x4096xf32>
    %mul3A_12 = arith.mulf %get3A_3, %get3A_3 : vector<128x3xf32>
    %reduce_sum3A = arith.constant dense<0.000000e+00> : vector<128xf32>
    %reduce_sum3A_13 = vector.multi_reduction <add>, %mul3A_12, %reduce_sum3A [1] : vector<128x3xf32> to vector<128xf32>
    %broadcast_in_dim3A = vector.shape_cast %reduce_sum3A_13 : vector<128xf32> to vector<128x1xf32>
    %add3A = vector.broadcast %broadcast_in_dim3A : vector<128x1xf32> to vector<128x4096xf32>
    %add3A_14 = arith.addf %mul3A_11, %add3A : vector<128x4096xf32>
    %mul3A_15 = arith.mulf %get3A_8, %get3A_8 : vector<3x4096xf32>
    %reduce_sum3A_16 = arith.constant dense<0.000000e+00> : vector<4096xf32>
    %reduce_sum3A_17 = vector.multi_reduction <add>, %mul3A_15, %reduce_sum3A_16 [0] : vector<3x4096xf32> to vector<4096xf32>
    %broadcast_in_dim3A_18 = vector.shape_cast %reduce_sum3A_17 : vector<4096xf32> to vector<1x4096xf32>
    %add3A_19 = vector.broadcast %broadcast_in_dim3A_18 : vector<1x4096xf32> to vector<128x4096xf32>
    %add3A_20 = arith.addf %add3A_14, %add3A_19 : vector<128x4096xf32>
    %le3A = arith.constant 0.00999999977 : f32
    %le3A_21 = vector.broadcast %le3A : f32 to vector<128x4096xf32>
    %le3A_22 = arith.cmpf ole, %add3A_20, %le3A_21 : vector<128x4096xf32>
    %convert_element_type3A = arith.extui %le3A_22 : vector<128x4096xi1> to vector<128x4096xi32>
    %convert_element_type3A_23 = arith.sitofp %convert_element_type3A : vector<128x4096xi32> to vector<128x4096xf32>
    %reshape3A = vector.shape_cast %convert_element_type3A_23 : vector<128x4096xf32> to vector<128x32x128xf32>
    %iota3A = tpu.iota {dimensions = array<i32: 0>} : vector<128x128xi32>
    %iota3A_24 = tpu.iota {dimensions = array<i32: 1>} : vector<128x128xi32>
    %le3A_25 = arith.cmpi sle, %iota3A, %iota3A_24 : vector<128x128xi32>
    %convert_element_type3A_26 = arith.extui %le3A_25 : vector<128x128xi1> to vector<128x128xi32>
    %convert_element_type3A_27 = arith.sitofp %convert_element_type3A_26 : vector<128x128xi32> to vector<128x128xf32>
    %dot_general3A_28 = arith.constant dense<0.000000e+00> : vector<128x32x128xf32>
    %dot_general3A_29 = tpu.matmul %reshape3A, %convert_element_type3A_27, %dot_general3A_28 {dimension_numbers = #tpu.dot_dimension_numbers<[2], [0], [0, 1], [1], [0, 0, 0, 1, 1, 1], [], []>, transpose_lhs_hint = false} : vector<128x32x128xf32>, vector<128x128xf32>, vector<128x32x128xf32> -> vector<128x32x128xf32>
    %reduce_sum3A_30 = arith.constant dense<0.000000e+00> : vector<128x32xf32>
    %reduce_sum3A_31 = vector.multi_reduction <add>, %reshape3A, %reduce_sum3A_30 [2] : vector<128x32x128xf32> to vector<128x32xf32>
    %iota3A_32 = tpu.iota {dimensions = array<i32: 0>} : vector<32x32xi32>
    %iota3A_33 = tpu.iota {dimensions = array<i32: 1>} : vector<32x32xi32>
    %lt3A = arith.cmpi slt, %iota3A_32, %iota3A_33 : vector<32x32xi32>
    %convert_element_type3A_34 = arith.extui %lt3A : vector<32x32xi1> to vector<32x32xi32>
    %convert_element_type3A_35 = arith.sitofp %convert_element_type3A_34 : vector<32x32xi32> to vector<32x32xf32>
    %dot_general3A_36 = arith.constant dense<0.000000e+00> : vector<128x32xf32>
    %dot_general3A_37 = tpu.matmul %reduce_sum3A_31, %convert_element_type3A_35, %dot_general3A_36 {dimension_numbers = #tpu.dot_dimension_numbers<[1], [0], [0], [1], [0, 0, 1, 1], [], []>, transpose_lhs_hint = false} : vector<128x32xf32>, vector<32x32xf32>, vector<128x32xf32> -> vector<128x32xf32>
    %broadcast_in_dim3A_38 = vector.shape_cast %dot_general3A_37 : vector<128x32xf32> to vector<128x32x1xf32>
    %add3A_39 = vector.broadcast %broadcast_in_dim3A_38 : vector<128x32x1xf32> to vector<128x32x128xf32>
    %add3A_40 = arith.addf %dot_general3A_29, %add3A_39 : vector<128x32x128xf32>
    %reduce_sum3A_41 = arith.constant dense<0.000000e+00> : vector<128xf32>
    %reduce_sum3A_42 = vector.multi_reduction <add>, %reduce_sum3A_31, %reduce_sum3A_41 [1] : vector<128x32xf32> to vector<128xf32>
    %broadcast_in_dim3A_43 = vector.shape_cast %reduce_sum3A_42 : vector<128xf32> to vector<128x1xf32>
    %iota3A_44 = tpu.iota {dimensions = array<i32: 1>} : vector<128x32x128xi32>
    %mul3A_45 = arith.constant 128 : i32
    %mul3A_46 = vector.broadcast %mul3A_45 : i32 to vector<128x32x128xi32>
    %mul3A_47 = arith.muli %iota3A_44, %mul3A_46 : vector<128x32x128xi32>
    %iota3A_48 = tpu.iota {dimensions = array<i32: 2>} : vector<128x32x128xi32>
    %add3A_49 = arith.addi %mul3A_47, %iota3A_48 : vector<128x32x128xi32>
    %gt3A = arith.constant 0.000000e+00 : f32
    %gt3A_50 = vector.broadcast %gt3A : f32 to vector<128x32x128xf32>
    %gt3A_51 = arith.cmpf ogt, %reshape3A, %gt3A_50 : vector<128x32x128xf32>
    %eq3A = arith.constant 1.000000e+00 : f32
    %eq3A_52 = vector.broadcast %eq3A : f32 to vector<128x32x128xf32>
    %eq3A_53 = arith.cmpf oeq, %add3A_40, %eq3A_52 : vector<128x32x128xf32>
    %and3A = arith.andi %gt3A_51, %eq3A_53 : vector<128x32x128xi1>
    %jit3A = arith.constant 0 : i32
    %broadcast_in_dim3A_54 = vector.broadcast %jit3A : i32 to vector<128x32x128xi32>
    %select_n3A = arith.select %and3A, %add3A_49, %broadcast_in_dim3A_54 : vector<128x32x128xi1>, vector<128x32x128xi32>
    %reduce_sum3A_55 = arith.constant dense<0> : vector<128x32xi32>
    %reduce_sum3A_56 = vector.multi_reduction <add>, %select_n3A, %reduce_sum3A_55 [2] : vector<128x32x128xi32> to vector<128x32xi32>
    %reduce_sum3A_57 = arith.constant dense<0> : vector<128xi32>
    %reduce_sum3A_58 = vector.multi_reduction <add>, %reduce_sum3A_56, %reduce_sum3A_57 [1] : vector<128x32xi32> to vector<128xi32>
    %broadcast_in_dim3A_59 = vector.shape_cast %reduce_sum3A_58 : vector<128xi32> to vector<128x1xi32>
    %eq3A_60 = arith.constant 2.000000e+00 : f32
    %eq3A_61 = vector.broadcast %eq3A_60 : f32 to vector<128x32x128xf32>
    %eq3A_62 = arith.cmpf oeq, %add3A_40, %eq3A_61 : vector<128x32x128xf32>
    %and3A_63 = arith.andi %gt3A_51, %eq3A_62 : vector<128x32x128xi1>
    %jit3A_64 = arith.constant 0 : i32
    %broadcast_in_dim3A_65 = vector.broadcast %jit3A_64 : i32 to vector<128x32x128xi32>
    %select_n3A_66 = arith.select %and3A_63, %add3A_49, %broadcast_in_dim3A_65 : vector<128x32x128xi1>, vector<128x32x128xi32>
    %reduce_sum3A_67 = arith.constant dense<0> : vector<128x32xi32>
    %reduce_sum3A_68 = vector.multi_reduction <add>, %select_n3A_66, %reduce_sum3A_67 [2] : vector<128x32x128xi32> to vector<128x32xi32>
    %reduce_sum3A_69 = arith.constant dense<0> : vector<128xi32>
    %reduce_sum3A_70 = vector.multi_reduction <add>, %reduce_sum3A_68, %reduce_sum3A_69 [1] : vector<128x32xi32> to vector<128xi32>
    %broadcast_in_dim3A_71 = vector.shape_cast %reduce_sum3A_70 : vector<128xi32> to vector<128x1xi32>
    %ge3A = arith.constant 2.000000e+00 : f32
    %ge3A_72 = vector.broadcast %ge3A : f32 to vector<128x1xf32>
    %ge3A_73 = arith.cmpf oge, %broadcast_in_dim3A_43, %ge3A_72 : vector<128x1xf32>
    %select_n3A_74 = arith.select %ge3A_73, %broadcast_in_dim3A_71, %broadcast_in_dim3A_59 : vector<128x1xi1>, vector<128x1xi32>
    %eq3A_75 = arith.constant 3.000000e+00 : f32
    %eq3A_76 = vector.broadcast %eq3A_75 : f32 to vector<128x32x128xf32>
    %eq3A_77 = arith.cmpf oeq, %add3A_40, %eq3A_76 : vector<128x32x128xf32>
    %and3A_78 = arith.andi %gt3A_51, %eq3A_77 : vector<128x32x128xi1>
    %jit3A_79 = arith.constant 0 : i32
    %broadcast_in_dim3A_80 = vector.broadcast %jit3A_79 : i32 to vector<128x32x128xi32>
    %select_n3A_81 = arith.select %and3A_78, %add3A_49, %broadcast_in_dim3A_80 : vector<128x32x128xi1>, vector<128x32x128xi32>
    %reduce_sum3A_82 = arith.constant dense<0> : vector<128x32xi32>
    %reduce_sum3A_83 = vector.multi_reduction <add>, %select_n3A_81, %reduce_sum3A_82 [2] : vector<128x32x128xi32> to vector<128x32xi32>
    %reduce_sum3A_84 = arith.constant dense<0> : vector<128xi32>
    %reduce_sum3A_85 = vector.multi_reduction <add>, %reduce_sum3A_83, %reduce_sum3A_84 [1] : vector<128x32xi32> to vector<128xi32>
    %broadcast_in_dim3A_86 = vector.shape_cast %reduce_sum3A_85 : vector<128xi32> to vector<128x1xi32>
    %ge3A_87 = arith.constant 3.000000e+00 : f32
    %ge3A_88 = vector.broadcast %ge3A_87 : f32 to vector<128x1xf32>
    %ge3A_89 = arith.cmpf oge, %broadcast_in_dim3A_43, %ge3A_88 : vector<128x1xf32>
    %select_n3A_90 = arith.select %ge3A_89, %broadcast_in_dim3A_86, %broadcast_in_dim3A_59 : vector<128x1xi1>, vector<128x1xi32>
    %eq3A_91 = arith.constant 4.000000e+00 : f32
    %eq3A_92 = vector.broadcast %eq3A_91 : f32 to vector<128x32x128xf32>
    %eq3A_93 = arith.cmpf oeq, %add3A_40, %eq3A_92 : vector<128x32x128xf32>
    %and3A_94 = arith.andi %gt3A_51, %eq3A_93 : vector<128x32x128xi1>
    %jit3A_95 = arith.constant 0 : i32
    %broadcast_in_dim3A_96 = vector.broadcast %jit3A_95 : i32 to vector<128x32x128xi32>
    %select_n3A_97 = arith.select %and3A_94, %add3A_49, %broadcast_in_dim3A_96 : vector<128x32x128xi1>, vector<128x32x128xi32>
    %reduce_sum3A_98 = arith.constant dense<0> : vector<128x32xi32>
    %reduce_sum3A_99 = vector.multi_reduction <add>, %select_n3A_97, %reduce_sum3A_98 [2] : vector<128x32x128xi32> to vector<128x32xi32>
    %reduce_sum3A_100 = arith.constant dense<0> : vector<128xi32>
    %reduce_sum3A_101 = vector.multi_reduction <add>, %reduce_sum3A_99, %reduce_sum3A_100 [1] : vector<128x32xi32> to vector<128xi32>
    %broadcast_in_dim3A_102 = vector.shape_cast %reduce_sum3A_101 : vector<128xi32> to vector<128x1xi32>
    %ge3A_103 = arith.constant 4.000000e+00 : f32
    %ge3A_104 = vector.broadcast %ge3A_103 : f32 to vector<128x1xf32>
    %ge3A_105 = arith.cmpf oge, %broadcast_in_dim3A_43, %ge3A_104 : vector<128x1xf32>
    %select_n3A_106 = arith.select %ge3A_105, %broadcast_in_dim3A_102, %broadcast_in_dim3A_59 : vector<128x1xi1>, vector<128x1xi32>
    %eq3A_107 = arith.constant 5.000000e+00 : f32
    %eq3A_108 = vector.broadcast %eq3A_107 : f32 to vector<128x32x128xf32>
    %eq3A_109 = arith.cmpf oeq, %add3A_40, %eq3A_108 : vector<128x32x128xf32>
    %and3A_110 = arith.andi %gt3A_51, %eq3A_109 : vector<128x32x128xi1>
    %jit3A_111 = arith.constant 0 : i32
    %broadcast_in_dim3A_112 = vector.broadcast %jit3A_111 : i32 to vector<128x32x128xi32>
    %select_n3A_113 = arith.select %and3A_110, %add3A_49, %broadcast_in_dim3A_112 : vector<128x32x128xi1>, vector<128x32x128xi32>
    %reduce_sum3A_114 = arith.constant dense<0> : vector<128x32xi32>
    %reduce_sum3A_115 = vector.multi_reduction <add>, %select_n3A_113, %reduce_sum3A_114 [2] : vector<128x32x128xi32> to vector<128x32xi32>
    %reduce_sum3A_116 = arith.constant dense<0> : vector<128xi32>
    %reduce_sum3A_117 = vector.multi_reduction <add>, %reduce_sum3A_115, %reduce_sum3A_116 [1] : vector<128x32xi32> to vector<128xi32>
    %broadcast_in_dim3A_118 = vector.shape_cast %reduce_sum3A_117 : vector<128xi32> to vector<128x1xi32>
    %ge3A_119 = arith.constant 5.000000e+00 : f32
    %ge3A_120 = vector.broadcast %ge3A_119 : f32 to vector<128x1xf32>
    %ge3A_121 = arith.cmpf oge, %broadcast_in_dim3A_43, %ge3A_120 : vector<128x1xf32>
    %select_n3A_122 = arith.select %ge3A_121, %broadcast_in_dim3A_118, %broadcast_in_dim3A_59 : vector<128x1xi1>, vector<128x1xi32>
    %eq3A_123 = arith.constant 6.000000e+00 : f32
    %eq3A_124 = vector.broadcast %eq3A_123 : f32 to vector<128x32x128xf32>
    %eq3A_125 = arith.cmpf oeq, %add3A_40, %eq3A_124 : vector<128x32x128xf32>
    %and3A_126 = arith.andi %gt3A_51, %eq3A_125 : vector<128x32x128xi1>
    %jit3A_127 = arith.constant 0 : i32
    %broadcast_in_dim3A_128 = vector.broadcast %jit3A_127 : i32 to vector<128x32x128xi32>
    %select_n3A_129 = arith.select %and3A_126, %add3A_49, %broadcast_in_dim3A_128 : vector<128x32x128xi1>, vector<128x32x128xi32>
    %reduce_sum3A_130 = arith.constant dense<0> : vector<128x32xi32>
    %reduce_sum3A_131 = vector.multi_reduction <add>, %select_n3A_129, %reduce_sum3A_130 [2] : vector<128x32x128xi32> to vector<128x32xi32>
    %reduce_sum3A_132 = arith.constant dense<0> : vector<128xi32>
    %reduce_sum3A_133 = vector.multi_reduction <add>, %reduce_sum3A_131, %reduce_sum3A_132 [1] : vector<128x32xi32> to vector<128xi32>
    %broadcast_in_dim3A_134 = vector.shape_cast %reduce_sum3A_133 : vector<128xi32> to vector<128x1xi32>
    %ge3A_135 = arith.constant 6.000000e+00 : f32
    %ge3A_136 = vector.broadcast %ge3A_135 : f32 to vector<128x1xf32>
    %ge3A_137 = arith.cmpf oge, %broadcast_in_dim3A_43, %ge3A_136 : vector<128x1xf32>
    %select_n3A_138 = arith.select %ge3A_137, %broadcast_in_dim3A_134, %broadcast_in_dim3A_59 : vector<128x1xi1>, vector<128x1xi32>
    %eq3A_139 = arith.constant 7.000000e+00 : f32
    %eq3A_140 = vector.broadcast %eq3A_139 : f32 to vector<128x32x128xf32>
    %eq3A_141 = arith.cmpf oeq, %add3A_40, %eq3A_140 : vector<128x32x128xf32>
    %and3A_142 = arith.andi %gt3A_51, %eq3A_141 : vector<128x32x128xi1>
    %jit3A_143 = arith.constant 0 : i32
    %broadcast_in_dim3A_144 = vector.broadcast %jit3A_143 : i32 to vector<128x32x128xi32>
    %select_n3A_145 = arith.select %and3A_142, %add3A_49, %broadcast_in_dim3A_144 : vector<128x32x128xi1>, vector<128x32x128xi32>
    %reduce_sum3A_146 = arith.constant dense<0> : vector<128x32xi32>
    %reduce_sum3A_147 = vector.multi_reduction <add>, %select_n3A_145, %reduce_sum3A_146 [2] : vector<128x32x128xi32> to vector<128x32xi32>
    %reduce_sum3A_148 = arith.constant dense<0> : vector<128xi32>
    %reduce_sum3A_149 = vector.multi_reduction <add>, %reduce_sum3A_147, %reduce_sum3A_148 [1] : vector<128x32xi32> to vector<128xi32>
    %broadcast_in_dim3A_150 = vector.shape_cast %reduce_sum3A_149 : vector<128xi32> to vector<128x1xi32>
    %ge3A_151 = arith.constant 7.000000e+00 : f32
    %ge3A_152 = vector.broadcast %ge3A_151 : f32 to vector<128x1xf32>
    %ge3A_153 = arith.cmpf oge, %broadcast_in_dim3A_43, %ge3A_152 : vector<128x1xf32>
    %select_n3A_154 = arith.select %ge3A_153, %broadcast_in_dim3A_150, %broadcast_in_dim3A_59 : vector<128x1xi1>, vector<128x1xi32>
    %eq3A_155 = arith.constant 8.000000e+00 : f32
    %eq3A_156 = vector.broadcast %eq3A_155 : f32 to vector<128x32x128xf32>
    %eq3A_157 = arith.cmpf oeq, %add3A_40, %eq3A_156 : vector<128x32x128xf32>
    %and3A_158 = arith.andi %gt3A_51, %eq3A_157 : vector<128x32x128xi1>
    %jit3A_159 = arith.constant 0 : i32
    %broadcast_in_dim3A_160 = vector.broadcast %jit3A_159 : i32 to vector<128x32x128xi32>
    %select_n3A_161 = arith.select %and3A_158, %add3A_49, %broadcast_in_dim3A_160 : vector<128x32x128xi1>, vector<128x32x128xi32>
    %reduce_sum3A_162 = arith.constant dense<0> : vector<128x32xi32>
    %reduce_sum3A_163 = vector.multi_reduction <add>, %select_n3A_161, %reduce_sum3A_162 [2] : vector<128x32x128xi32> to vector<128x32xi32>
    %reduce_sum3A_164 = arith.constant dense<0> : vector<128xi32>
    %reduce_sum3A_165 = vector.multi_reduction <add>, %reduce_sum3A_163, %reduce_sum3A_164 [1] : vector<128x32xi32> to vector<128xi32>
    %broadcast_in_dim3A_166 = vector.shape_cast %reduce_sum3A_165 : vector<128xi32> to vector<128x1xi32>
    %ge3A_167 = arith.constant 8.000000e+00 : f32
    %ge3A_168 = vector.broadcast %ge3A_167 : f32 to vector<128x1xf32>
    %ge3A_169 = arith.cmpf oge, %broadcast_in_dim3A_43, %ge3A_168 : vector<128x1xf32>
    %select_n3A_170 = arith.select %ge3A_169, %broadcast_in_dim3A_166, %broadcast_in_dim3A_59 : vector<128x1xi1>, vector<128x1xi32>
    %eq3A_171 = arith.constant 9.000000e+00 : f32
    %eq3A_172 = vector.broadcast %eq3A_171 : f32 to vector<128x32x128xf32>
    %eq3A_173 = arith.cmpf oeq, %add3A_40, %eq3A_172 : vector<128x32x128xf32>
    %and3A_174 = arith.andi %gt3A_51, %eq3A_173 : vector<128x32x128xi1>
    %jit3A_175 = arith.constant 0 : i32
    %broadcast_in_dim3A_176 = vector.broadcast %jit3A_175 : i32 to vector<128x32x128xi32>
    %select_n3A_177 = arith.select %and3A_174, %add3A_49, %broadcast_in_dim3A_176 : vector<128x32x128xi1>, vector<128x32x128xi32>
    %reduce_sum3A_178 = arith.constant dense<0> : vector<128x32xi32>
    %reduce_sum3A_179 = vector.multi_reduction <add>, %select_n3A_177, %reduce_sum3A_178 [2] : vector<128x32x128xi32> to vector<128x32xi32>
    %reduce_sum3A_180 = arith.constant dense<0> : vector<128xi32>
    %reduce_sum3A_181 = vector.multi_reduction <add>, %reduce_sum3A_179, %reduce_sum3A_180 [1] : vector<128x32xi32> to vector<128xi32>
    %broadcast_in_dim3A_182 = vector.shape_cast %reduce_sum3A_181 : vector<128xi32> to vector<128x1xi32>
    %ge3A_183 = arith.constant 9.000000e+00 : f32
    %ge3A_184 = vector.broadcast %ge3A_183 : f32 to vector<128x1xf32>
    %ge3A_185 = arith.cmpf oge, %broadcast_in_dim3A_43, %ge3A_184 : vector<128x1xf32>
    %select_n3A_186 = arith.select %ge3A_185, %broadcast_in_dim3A_182, %broadcast_in_dim3A_59 : vector<128x1xi1>, vector<128x1xi32>
    %eq3A_187 = arith.constant 1.000000e+01 : f32
    %eq3A_188 = vector.broadcast %eq3A_187 : f32 to vector<128x32x128xf32>
    %eq3A_189 = arith.cmpf oeq, %add3A_40, %eq3A_188 : vector<128x32x128xf32>
    %and3A_190 = arith.andi %gt3A_51, %eq3A_189 : vector<128x32x128xi1>
    %jit3A_191 = arith.constant 0 : i32
    %broadcast_in_dim3A_192 = vector.broadcast %jit3A_191 : i32 to vector<128x32x128xi32>
    %select_n3A_193 = arith.select %and3A_190, %add3A_49, %broadcast_in_dim3A_192 : vector<128x32x128xi1>, vector<128x32x128xi32>
    %reduce_sum3A_194 = arith.constant dense<0> : vector<128x32xi32>
    %reduce_sum3A_195 = vector.multi_reduction <add>, %select_n3A_193, %reduce_sum3A_194 [2] : vector<128x32x128xi32> to vector<128x32xi32>
    %reduce_sum3A_196 = arith.constant dense<0> : vector<128xi32>
    %reduce_sum3A_197 = vector.multi_reduction <add>, %reduce_sum3A_195, %reduce_sum3A_196 [1] : vector<128x32xi32> to vector<128xi32>
    %broadcast_in_dim3A_198 = vector.shape_cast %reduce_sum3A_197 : vector<128xi32> to vector<128x1xi32>
    %ge3A_199 = arith.constant 1.000000e+01 : f32
    %ge3A_200 = vector.broadcast %ge3A_199 : f32 to vector<128x1xf32>
    %ge3A_201 = arith.cmpf oge, %broadcast_in_dim3A_43, %ge3A_200 : vector<128x1xf32>
    %select_n3A_202 = arith.select %ge3A_201, %broadcast_in_dim3A_198, %broadcast_in_dim3A_59 : vector<128x1xi1>, vector<128x1xi32>
    %eq3A_203 = arith.constant 1.100000e+01 : f32
    %eq3A_204 = vector.broadcast %eq3A_203 : f32 to vector<128x32x128xf32>
    %eq3A_205 = arith.cmpf oeq, %add3A_40, %eq3A_204 : vector<128x32x128xf32>
    %and3A_206 = arith.andi %gt3A_51, %eq3A_205 : vector<128x32x128xi1>
    %jit3A_207 = arith.constant 0 : i32
    %broadcast_in_dim3A_208 = vector.broadcast %jit3A_207 : i32 to vector<128x32x128xi32>
    %select_n3A_209 = arith.select %and3A_206, %add3A_49, %broadcast_in_dim3A_208 : vector<128x32x128xi1>, vector<128x32x128xi32>
    %reduce_sum3A_210 = arith.constant dense<0> : vector<128x32xi32>
    %reduce_sum3A_211 = vector.multi_reduction <add>, %select_n3A_209, %reduce_sum3A_210 [2] : vector<128x32x128xi32> to vector<128x32xi32>
    %reduce_sum3A_212 = arith.constant dense<0> : vector<128xi32>
    %reduce_sum3A_213 = vector.multi_reduction <add>, %reduce_sum3A_211, %reduce_sum3A_212 [1] : vector<128x32xi32> to vector<128xi32>
    %broadcast_in_dim3A_214 = vector.shape_cast %reduce_sum3A_213 : vector<128xi32> to vector<128x1xi32>
    %ge3A_215 = arith.constant 1.100000e+01 : f32
    %ge3A_216 = vector.broadcast %ge3A_215 : f32 to vector<128x1xf32>
    %ge3A_217 = arith.cmpf oge, %broadcast_in_dim3A_43, %ge3A_216 : vector<128x1xf32>
    %select_n3A_218 = arith.select %ge3A_217, %broadcast_in_dim3A_214, %broadcast_in_dim3A_59 : vector<128x1xi1>, vector<128x1xi32>
    %eq3A_219 = arith.constant 1.200000e+01 : f32
    %eq3A_220 = vector.broadcast %eq3A_219 : f32 to vector<128x32x128xf32>
    %eq3A_221 = arith.cmpf oeq, %add3A_40, %eq3A_220 : vector<128x32x128xf32>
    %and3A_222 = arith.andi %gt3A_51, %eq3A_221 : vector<128x32x128xi1>
    %jit3A_223 = arith.constant 0 : i32
    %broadcast_in_dim3A_224 = vector.broadcast %jit3A_223 : i32 to vector<128x32x128xi32>
    %select_n3A_225 = arith.select %and3A_222, %add3A_49, %broadcast_in_dim3A_224 : vector<128x32x128xi1>, vector<128x32x128xi32>
    %reduce_sum3A_226 = arith.constant dense<0> : vector<128x32xi32>
    %reduce_sum3A_227 = vector.multi_reduction <add>, %select_n3A_225, %reduce_sum3A_226 [2] : vector<128x32x128xi32> to vector<128x32xi32>
    %reduce_sum3A_228 = arith.constant dense<0> : vector<128xi32>
    %reduce_sum3A_229 = vector.multi_reduction <add>, %reduce_sum3A_227, %reduce_sum3A_228 [1] : vector<128x32xi32> to vector<128xi32>
    %broadcast_in_dim3A_230 = vector.shape_cast %reduce_sum3A_229 : vector<128xi32> to vector<128x1xi32>
    %ge3A_231 = arith.constant 1.200000e+01 : f32
    %ge3A_232 = vector.broadcast %ge3A_231 : f32 to vector<128x1xf32>
    %ge3A_233 = arith.cmpf oge, %broadcast_in_dim3A_43, %ge3A_232 : vector<128x1xf32>
    %select_n3A_234 = arith.select %ge3A_233, %broadcast_in_dim3A_230, %broadcast_in_dim3A_59 : vector<128x1xi1>, vector<128x1xi32>
    %eq3A_235 = arith.constant 1.300000e+01 : f32
    %eq3A_236 = vector.broadcast %eq3A_235 : f32 to vector<128x32x128xf32>
    %eq3A_237 = arith.cmpf oeq, %add3A_40, %eq3A_236 : vector<128x32x128xf32>
    %and3A_238 = arith.andi %gt3A_51, %eq3A_237 : vector<128x32x128xi1>
    %jit3A_239 = arith.constant 0 : i32
    %broadcast_in_dim3A_240 = vector.broadcast %jit3A_239 : i32 to vector<128x32x128xi32>
    %select_n3A_241 = arith.select %and3A_238, %add3A_49, %broadcast_in_dim3A_240 : vector<128x32x128xi1>, vector<128x32x128xi32>
    %reduce_sum3A_242 = arith.constant dense<0> : vector<128x32xi32>
    %reduce_sum3A_243 = vector.multi_reduction <add>, %select_n3A_241, %reduce_sum3A_242 [2] : vector<128x32x128xi32> to vector<128x32xi32>
    %reduce_sum3A_244 = arith.constant dense<0> : vector<128xi32>
    %reduce_sum3A_245 = vector.multi_reduction <add>, %reduce_sum3A_243, %reduce_sum3A_244 [1] : vector<128x32xi32> to vector<128xi32>
    %broadcast_in_dim3A_246 = vector.shape_cast %reduce_sum3A_245 : vector<128xi32> to vector<128x1xi32>
    %ge3A_247 = arith.constant 1.300000e+01 : f32
    %ge3A_248 = vector.broadcast %ge3A_247 : f32 to vector<128x1xf32>
    %ge3A_249 = arith.cmpf oge, %broadcast_in_dim3A_43, %ge3A_248 : vector<128x1xf32>
    %select_n3A_250 = arith.select %ge3A_249, %broadcast_in_dim3A_246, %broadcast_in_dim3A_59 : vector<128x1xi1>, vector<128x1xi32>
    %eq3A_251 = arith.constant 1.400000e+01 : f32
    %eq3A_252 = vector.broadcast %eq3A_251 : f32 to vector<128x32x128xf32>
    %eq3A_253 = arith.cmpf oeq, %add3A_40, %eq3A_252 : vector<128x32x128xf32>
    %and3A_254 = arith.andi %gt3A_51, %eq3A_253 : vector<128x32x128xi1>
    %jit3A_255 = arith.constant 0 : i32
    %broadcast_in_dim3A_256 = vector.broadcast %jit3A_255 : i32 to vector<128x32x128xi32>
    %select_n3A_257 = arith.select %and3A_254, %add3A_49, %broadcast_in_dim3A_256 : vector<128x32x128xi1>, vector<128x32x128xi32>
    %reduce_sum3A_258 = arith.constant dense<0> : vector<128x32xi32>
    %reduce_sum3A_259 = vector.multi_reduction <add>, %select_n3A_257, %reduce_sum3A_258 [2] : vector<128x32x128xi32> to vector<128x32xi32>
    %reduce_sum3A_260 = arith.constant dense<0> : vector<128xi32>
    %reduce_sum3A_261 = vector.multi_reduction <add>, %reduce_sum3A_259, %reduce_sum3A_260 [1] : vector<128x32xi32> to vector<128xi32>
    %broadcast_in_dim3A_262 = vector.shape_cast %reduce_sum3A_261 : vector<128xi32> to vector<128x1xi32>
    %ge3A_263 = arith.constant 1.400000e+01 : f32
    %ge3A_264 = vector.broadcast %ge3A_263 : f32 to vector<128x1xf32>
    %ge3A_265 = arith.cmpf oge, %broadcast_in_dim3A_43, %ge3A_264 : vector<128x1xf32>
    %select_n3A_266 = arith.select %ge3A_265, %broadcast_in_dim3A_262, %broadcast_in_dim3A_59 : vector<128x1xi1>, vector<128x1xi32>
    %eq3A_267 = arith.constant 1.500000e+01 : f32
    %eq3A_268 = vector.broadcast %eq3A_267 : f32 to vector<128x32x128xf32>
    %eq3A_269 = arith.cmpf oeq, %add3A_40, %eq3A_268 : vector<128x32x128xf32>
    %and3A_270 = arith.andi %gt3A_51, %eq3A_269 : vector<128x32x128xi1>
    %jit3A_271 = arith.constant 0 : i32
    %broadcast_in_dim3A_272 = vector.broadcast %jit3A_271 : i32 to vector<128x32x128xi32>
    %select_n3A_273 = arith.select %and3A_270, %add3A_49, %broadcast_in_dim3A_272 : vector<128x32x128xi1>, vector<128x32x128xi32>
    %reduce_sum3A_274 = arith.constant dense<0> : vector<128x32xi32>
    %reduce_sum3A_275 = vector.multi_reduction <add>, %select_n3A_273, %reduce_sum3A_274 [2] : vector<128x32x128xi32> to vector<128x32xi32>
    %reduce_sum3A_276 = arith.constant dense<0> : vector<128xi32>
    %reduce_sum3A_277 = vector.multi_reduction <add>, %reduce_sum3A_275, %reduce_sum3A_276 [1] : vector<128x32xi32> to vector<128xi32>
    %broadcast_in_dim3A_278 = vector.shape_cast %reduce_sum3A_277 : vector<128xi32> to vector<128x1xi32>
    %ge3A_279 = arith.constant 1.500000e+01 : f32
    %ge3A_280 = vector.broadcast %ge3A_279 : f32 to vector<128x1xf32>
    %ge3A_281 = arith.cmpf oge, %broadcast_in_dim3A_43, %ge3A_280 : vector<128x1xf32>
    %select_n3A_282 = arith.select %ge3A_281, %broadcast_in_dim3A_278, %broadcast_in_dim3A_59 : vector<128x1xi1>, vector<128x1xi32>
    %eq3A_283 = arith.constant 1.600000e+01 : f32
    %eq3A_284 = vector.broadcast %eq3A_283 : f32 to vector<128x32x128xf32>
    %eq3A_285 = arith.cmpf oeq, %add3A_40, %eq3A_284 : vector<128x32x128xf32>
    %and3A_286 = arith.andi %gt3A_51, %eq3A_285 : vector<128x32x128xi1>
    %jit3A_287 = arith.constant 0 : i32
    %broadcast_in_dim3A_288 = vector.broadcast %jit3A_287 : i32 to vector<128x32x128xi32>
    %select_n3A_289 = arith.select %and3A_286, %add3A_49, %broadcast_in_dim3A_288 : vector<128x32x128xi1>, vector<128x32x128xi32>
    %reduce_sum3A_290 = arith.constant dense<0> : vector<128x32xi32>
    %reduce_sum3A_291 = vector.multi_reduction <add>, %select_n3A_289, %reduce_sum3A_290 [2] : vector<128x32x128xi32> to vector<128x32xi32>
    %reduce_sum3A_292 = arith.constant dense<0> : vector<128xi32>
    %reduce_sum3A_293 = vector.multi_reduction <add>, %reduce_sum3A_291, %reduce_sum3A_292 [1] : vector<128x32xi32> to vector<128xi32>
    %broadcast_in_dim3A_294 = vector.shape_cast %reduce_sum3A_293 : vector<128xi32> to vector<128x1xi32>
    %ge3A_295 = arith.constant 1.600000e+01 : f32
    %ge3A_296 = vector.broadcast %ge3A_295 : f32 to vector<128x1xf32>
    %ge3A_297 = arith.cmpf oge, %broadcast_in_dim3A_43, %ge3A_296 : vector<128x1xf32>
    %select_n3A_298 = arith.select %ge3A_297, %broadcast_in_dim3A_294, %broadcast_in_dim3A_59 : vector<128x1xi1>, vector<128x1xi32>
    %eq3A_299 = arith.constant 1.700000e+01 : f32
    %eq3A_300 = vector.broadcast %eq3A_299 : f32 to vector<128x32x128xf32>
    %eq3A_301 = arith.cmpf oeq, %add3A_40, %eq3A_300 : vector<128x32x128xf32>
    %and3A_302 = arith.andi %gt3A_51, %eq3A_301 : vector<128x32x128xi1>
    %jit3A_303 = arith.constant 0 : i32
    %broadcast_in_dim3A_304 = vector.broadcast %jit3A_303 : i32 to vector<128x32x128xi32>
    %select_n3A_305 = arith.select %and3A_302, %add3A_49, %broadcast_in_dim3A_304 : vector<128x32x128xi1>, vector<128x32x128xi32>
    %reduce_sum3A_306 = arith.constant dense<0> : vector<128x32xi32>
    %reduce_sum3A_307 = vector.multi_reduction <add>, %select_n3A_305, %reduce_sum3A_306 [2] : vector<128x32x128xi32> to vector<128x32xi32>
    %reduce_sum3A_308 = arith.constant dense<0> : vector<128xi32>
    %reduce_sum3A_309 = vector.multi_reduction <add>, %reduce_sum3A_307, %reduce_sum3A_308 [1] : vector<128x32xi32> to vector<128xi32>
    %broadcast_in_dim3A_310 = vector.shape_cast %reduce_sum3A_309 : vector<128xi32> to vector<128x1xi32>
    %ge3A_311 = arith.constant 1.700000e+01 : f32
    %ge3A_312 = vector.broadcast %ge3A_311 : f32 to vector<128x1xf32>
    %ge3A_313 = arith.cmpf oge, %broadcast_in_dim3A_43, %ge3A_312 : vector<128x1xf32>
    %select_n3A_314 = arith.select %ge3A_313, %broadcast_in_dim3A_310, %broadcast_in_dim3A_59 : vector<128x1xi1>, vector<128x1xi32>
    %eq3A_315 = arith.constant 1.800000e+01 : f32
    %eq3A_316 = vector.broadcast %eq3A_315 : f32 to vector<128x32x128xf32>
    %eq3A_317 = arith.cmpf oeq, %add3A_40, %eq3A_316 : vector<128x32x128xf32>
    %and3A_318 = arith.andi %gt3A_51, %eq3A_317 : vector<128x32x128xi1>
    %jit3A_319 = arith.constant 0 : i32
    %broadcast_in_dim3A_320 = vector.broadcast %jit3A_319 : i32 to vector<128x32x128xi32>
    %select_n3A_321 = arith.select %and3A_318, %add3A_49, %broadcast_in_dim3A_320 : vector<128x32x128xi1>, vector<128x32x128xi32>
    %reduce_sum3A_322 = arith.constant dense<0> : vector<128x32xi32>
    %reduce_sum3A_323 = vector.multi_reduction <add>, %select_n3A_321, %reduce_sum3A_322 [2] : vector<128x32x128xi32> to vector<128x32xi32>
    %reduce_sum3A_324 = arith.constant dense<0> : vector<128xi32>
    %reduce_sum3A_325 = vector.multi_reduction <add>, %reduce_sum3A_323, %reduce_sum3A_324 [1] : vector<128x32xi32> to vector<128xi32>
    %broadcast_in_dim3A_326 = vector.shape_cast %reduce_sum3A_325 : vector<128xi32> to vector<128x1xi32>
    %ge3A_327 = arith.constant 1.800000e+01 : f32
    %ge3A_328 = vector.broadcast %ge3A_327 : f32 to vector<128x1xf32>
    %ge3A_329 = arith.cmpf oge, %broadcast_in_dim3A_43, %ge3A_328 : vector<128x1xf32>
    %select_n3A_330 = arith.select %ge3A_329, %broadcast_in_dim3A_326, %broadcast_in_dim3A_59 : vector<128x1xi1>, vector<128x1xi32>
    %eq3A_331 = arith.constant 1.900000e+01 : f32
    %eq3A_332 = vector.broadcast %eq3A_331 : f32 to vector<128x32x128xf32>
    %eq3A_333 = arith.cmpf oeq, %add3A_40, %eq3A_332 : vector<128x32x128xf32>
    %and3A_334 = arith.andi %gt3A_51, %eq3A_333 : vector<128x32x128xi1>
    %jit3A_335 = arith.constant 0 : i32
    %broadcast_in_dim3A_336 = vector.broadcast %jit3A_335 : i32 to vector<128x32x128xi32>
    %select_n3A_337 = arith.select %and3A_334, %add3A_49, %broadcast_in_dim3A_336 : vector<128x32x128xi1>, vector<128x32x128xi32>
    %reduce_sum3A_338 = arith.constant dense<0> : vector<128x32xi32>
    %reduce_sum3A_339 = vector.multi_reduction <add>, %select_n3A_337, %reduce_sum3A_338 [2] : vector<128x32x128xi32> to vector<128x32xi32>
    %reduce_sum3A_340 = arith.constant dense<0> : vector<128xi32>
    %reduce_sum3A_341 = vector.multi_reduction <add>, %reduce_sum3A_339, %reduce_sum3A_340 [1] : vector<128x32xi32> to vector<128xi32>
    %broadcast_in_dim3A_342 = vector.shape_cast %reduce_sum3A_341 : vector<128xi32> to vector<128x1xi32>
    %ge3A_343 = arith.constant 1.900000e+01 : f32
    %ge3A_344 = vector.broadcast %ge3A_343 : f32 to vector<128x1xf32>
    %ge3A_345 = arith.cmpf oge, %broadcast_in_dim3A_43, %ge3A_344 : vector<128x1xf32>
    %select_n3A_346 = arith.select %ge3A_345, %broadcast_in_dim3A_342, %broadcast_in_dim3A_59 : vector<128x1xi1>, vector<128x1xi32>
    %eq3A_347 = arith.constant 2.000000e+01 : f32
    %eq3A_348 = vector.broadcast %eq3A_347 : f32 to vector<128x32x128xf32>
    %eq3A_349 = arith.cmpf oeq, %add3A_40, %eq3A_348 : vector<128x32x128xf32>
    %and3A_350 = arith.andi %gt3A_51, %eq3A_349 : vector<128x32x128xi1>
    %jit3A_351 = arith.constant 0 : i32
    %broadcast_in_dim3A_352 = vector.broadcast %jit3A_351 : i32 to vector<128x32x128xi32>
    %select_n3A_353 = arith.select %and3A_350, %add3A_49, %broadcast_in_dim3A_352 : vector<128x32x128xi1>, vector<128x32x128xi32>
    %reduce_sum3A_354 = arith.constant dense<0> : vector<128x32xi32>
    %reduce_sum3A_355 = vector.multi_reduction <add>, %select_n3A_353, %reduce_sum3A_354 [2] : vector<128x32x128xi32> to vector<128x32xi32>
    %reduce_sum3A_356 = arith.constant dense<0> : vector<128xi32>
    %reduce_sum3A_357 = vector.multi_reduction <add>, %reduce_sum3A_355, %reduce_sum3A_356 [1] : vector<128x32xi32> to vector<128xi32>
    %broadcast_in_dim3A_358 = vector.shape_cast %reduce_sum3A_357 : vector<128xi32> to vector<128x1xi32>
    %ge3A_359 = arith.constant 2.000000e+01 : f32
    %ge3A_360 = vector.broadcast %ge3A_359 : f32 to vector<128x1xf32>
    %ge3A_361 = arith.cmpf oge, %broadcast_in_dim3A_43, %ge3A_360 : vector<128x1xf32>
    %select_n3A_362 = arith.select %ge3A_361, %broadcast_in_dim3A_358, %broadcast_in_dim3A_59 : vector<128x1xi1>, vector<128x1xi32>
    %eq3A_363 = arith.constant 2.100000e+01 : f32
    %eq3A_364 = vector.broadcast %eq3A_363 : f32 to vector<128x32x128xf32>
    %eq3A_365 = arith.cmpf oeq, %add3A_40, %eq3A_364 : vector<128x32x128xf32>
    %and3A_366 = arith.andi %gt3A_51, %eq3A_365 : vector<128x32x128xi1>
    %jit3A_367 = arith.constant 0 : i32
    %broadcast_in_dim3A_368 = vector.broadcast %jit3A_367 : i32 to vector<128x32x128xi32>
    %select_n3A_369 = arith.select %and3A_366, %add3A_49, %broadcast_in_dim3A_368 : vector<128x32x128xi1>, vector<128x32x128xi32>
    %reduce_sum3A_370 = arith.constant dense<0> : vector<128x32xi32>
    %reduce_sum3A_371 = vector.multi_reduction <add>, %select_n3A_369, %reduce_sum3A_370 [2] : vector<128x32x128xi32> to vector<128x32xi32>
    %reduce_sum3A_372 = arith.constant dense<0> : vector<128xi32>
    %reduce_sum3A_373 = vector.multi_reduction <add>, %reduce_sum3A_371, %reduce_sum3A_372 [1] : vector<128x32xi32> to vector<128xi32>
    %broadcast_in_dim3A_374 = vector.shape_cast %reduce_sum3A_373 : vector<128xi32> to vector<128x1xi32>
    %ge3A_375 = arith.constant 2.100000e+01 : f32
    %ge3A_376 = vector.broadcast %ge3A_375 : f32 to vector<128x1xf32>
    %ge3A_377 = arith.cmpf oge, %broadcast_in_dim3A_43, %ge3A_376 : vector<128x1xf32>
    %select_n3A_378 = arith.select %ge3A_377, %broadcast_in_dim3A_374, %broadcast_in_dim3A_59 : vector<128x1xi1>, vector<128x1xi32>
    %eq3A_379 = arith.constant 2.200000e+01 : f32
    %eq3A_380 = vector.broadcast %eq3A_379 : f32 to vector<128x32x128xf32>
    %eq3A_381 = arith.cmpf oeq, %add3A_40, %eq3A_380 : vector<128x32x128xf32>
    %and3A_382 = arith.andi %gt3A_51, %eq3A_381 : vector<128x32x128xi1>
    %jit3A_383 = arith.constant 0 : i32
    %broadcast_in_dim3A_384 = vector.broadcast %jit3A_383 : i32 to vector<128x32x128xi32>
    %select_n3A_385 = arith.select %and3A_382, %add3A_49, %broadcast_in_dim3A_384 : vector<128x32x128xi1>, vector<128x32x128xi32>
    %reduce_sum3A_386 = arith.constant dense<0> : vector<128x32xi32>
    %reduce_sum3A_387 = vector.multi_reduction <add>, %select_n3A_385, %reduce_sum3A_386 [2] : vector<128x32x128xi32> to vector<128x32xi32>
    %reduce_sum3A_388 = arith.constant dense<0> : vector<128xi32>
    %reduce_sum3A_389 = vector.multi_reduction <add>, %reduce_sum3A_387, %reduce_sum3A_388 [1] : vector<128x32xi32> to vector<128xi32>
    %broadcast_in_dim3A_390 = vector.shape_cast %reduce_sum3A_389 : vector<128xi32> to vector<128x1xi32>
    %ge3A_391 = arith.constant 2.200000e+01 : f32
    %ge3A_392 = vector.broadcast %ge3A_391 : f32 to vector<128x1xf32>
    %ge3A_393 = arith.cmpf oge, %broadcast_in_dim3A_43, %ge3A_392 : vector<128x1xf32>
    %select_n3A_394 = arith.select %ge3A_393, %broadcast_in_dim3A_390, %broadcast_in_dim3A_59 : vector<128x1xi1>, vector<128x1xi32>
    %eq3A_395 = arith.constant 2.300000e+01 : f32
    %eq3A_396 = vector.broadcast %eq3A_395 : f32 to vector<128x32x128xf32>
    %eq3A_397 = arith.cmpf oeq, %add3A_40, %eq3A_396 : vector<128x32x128xf32>
    %and3A_398 = arith.andi %gt3A_51, %eq3A_397 : vector<128x32x128xi1>
    %jit3A_399 = arith.constant 0 : i32
    %broadcast_in_dim3A_400 = vector.broadcast %jit3A_399 : i32 to vector<128x32x128xi32>
    %select_n3A_401 = arith.select %and3A_398, %add3A_49, %broadcast_in_dim3A_400 : vector<128x32x128xi1>, vector<128x32x128xi32>
    %reduce_sum3A_402 = arith.constant dense<0> : vector<128x32xi32>
    %reduce_sum3A_403 = vector.multi_reduction <add>, %select_n3A_401, %reduce_sum3A_402 [2] : vector<128x32x128xi32> to vector<128x32xi32>
    %reduce_sum3A_404 = arith.constant dense<0> : vector<128xi32>
    %reduce_sum3A_405 = vector.multi_reduction <add>, %reduce_sum3A_403, %reduce_sum3A_404 [1] : vector<128x32xi32> to vector<128xi32>
    %broadcast_in_dim3A_406 = vector.shape_cast %reduce_sum3A_405 : vector<128xi32> to vector<128x1xi32>
    %ge3A_407 = arith.constant 2.300000e+01 : f32
    %ge3A_408 = vector.broadcast %ge3A_407 : f32 to vector<128x1xf32>
    %ge3A_409 = arith.cmpf oge, %broadcast_in_dim3A_43, %ge3A_408 : vector<128x1xf32>
    %select_n3A_410 = arith.select %ge3A_409, %broadcast_in_dim3A_406, %broadcast_in_dim3A_59 : vector<128x1xi1>, vector<128x1xi32>
    %eq3A_411 = arith.constant 2.400000e+01 : f32
    %eq3A_412 = vector.broadcast %eq3A_411 : f32 to vector<128x32x128xf32>
    %eq3A_413 = arith.cmpf oeq, %add3A_40, %eq3A_412 : vector<128x32x128xf32>
    %and3A_414 = arith.andi %gt3A_51, %eq3A_413 : vector<128x32x128xi1>
    %jit3A_415 = arith.constant 0 : i32
    %broadcast_in_dim3A_416 = vector.broadcast %jit3A_415 : i32 to vector<128x32x128xi32>
    %select_n3A_417 = arith.select %and3A_414, %add3A_49, %broadcast_in_dim3A_416 : vector<128x32x128xi1>, vector<128x32x128xi32>
    %reduce_sum3A_418 = arith.constant dense<0> : vector<128x32xi32>
    %reduce_sum3A_419 = vector.multi_reduction <add>, %select_n3A_417, %reduce_sum3A_418 [2] : vector<128x32x128xi32> to vector<128x32xi32>
    %reduce_sum3A_420 = arith.constant dense<0> : vector<128xi32>
    %reduce_sum3A_421 = vector.multi_reduction <add>, %reduce_sum3A_419, %reduce_sum3A_420 [1] : vector<128x32xi32> to vector<128xi32>
    %broadcast_in_dim3A_422 = vector.shape_cast %reduce_sum3A_421 : vector<128xi32> to vector<128x1xi32>
    %ge3A_423 = arith.constant 2.400000e+01 : f32
    %ge3A_424 = vector.broadcast %ge3A_423 : f32 to vector<128x1xf32>
    %ge3A_425 = arith.cmpf oge, %broadcast_in_dim3A_43, %ge3A_424 : vector<128x1xf32>
    %select_n3A_426 = arith.select %ge3A_425, %broadcast_in_dim3A_422, %broadcast_in_dim3A_59 : vector<128x1xi1>, vector<128x1xi32>
    %eq3A_427 = arith.constant 2.500000e+01 : f32
    %eq3A_428 = vector.broadcast %eq3A_427 : f32 to vector<128x32x128xf32>
    %eq3A_429 = arith.cmpf oeq, %add3A_40, %eq3A_428 : vector<128x32x128xf32>
    %and3A_430 = arith.andi %gt3A_51, %eq3A_429 : vector<128x32x128xi1>
    %jit3A_431 = arith.constant 0 : i32
    %broadcast_in_dim3A_432 = vector.broadcast %jit3A_431 : i32 to vector<128x32x128xi32>
    %select_n3A_433 = arith.select %and3A_430, %add3A_49, %broadcast_in_dim3A_432 : vector<128x32x128xi1>, vector<128x32x128xi32>
    %reduce_sum3A_434 = arith.constant dense<0> : vector<128x32xi32>
    %reduce_sum3A_435 = vector.multi_reduction <add>, %select_n3A_433, %reduce_sum3A_434 [2] : vector<128x32x128xi32> to vector<128x32xi32>
    %reduce_sum3A_436 = arith.constant dense<0> : vector<128xi32>
    %reduce_sum3A_437 = vector.multi_reduction <add>, %reduce_sum3A_435, %reduce_sum3A_436 [1] : vector<128x32xi32> to vector<128xi32>
    %broadcast_in_dim3A_438 = vector.shape_cast %reduce_sum3A_437 : vector<128xi32> to vector<128x1xi32>
    %ge3A_439 = arith.constant 2.500000e+01 : f32
    %ge3A_440 = vector.broadcast %ge3A_439 : f32 to vector<128x1xf32>
    %ge3A_441 = arith.cmpf oge, %broadcast_in_dim3A_43, %ge3A_440 : vector<128x1xf32>
    %select_n3A_442 = arith.select %ge3A_441, %broadcast_in_dim3A_438, %broadcast_in_dim3A_59 : vector<128x1xi1>, vector<128x1xi32>
    %eq3A_443 = arith.constant 2.600000e+01 : f32
    %eq3A_444 = vector.broadcast %eq3A_443 : f32 to vector<128x32x128xf32>
    %eq3A_445 = arith.cmpf oeq, %add3A_40, %eq3A_444 : vector<128x32x128xf32>
    %and3A_446 = arith.andi %gt3A_51, %eq3A_445 : vector<128x32x128xi1>
    %jit3A_447 = arith.constant 0 : i32
    %broadcast_in_dim3A_448 = vector.broadcast %jit3A_447 : i32 to vector<128x32x128xi32>
    %select_n3A_449 = arith.select %and3A_446, %add3A_49, %broadcast_in_dim3A_448 : vector<128x32x128xi1>, vector<128x32x128xi32>
    %reduce_sum3A_450 = arith.constant dense<0> : vector<128x32xi32>
    %reduce_sum3A_451 = vector.multi_reduction <add>, %select_n3A_449, %reduce_sum3A_450 [2] : vector<128x32x128xi32> to vector<128x32xi32>
    %reduce_sum3A_452 = arith.constant dense<0> : vector<128xi32>
    %reduce_sum3A_453 = vector.multi_reduction <add>, %reduce_sum3A_451, %reduce_sum3A_452 [1] : vector<128x32xi32> to vector<128xi32>
    %broadcast_in_dim3A_454 = vector.shape_cast %reduce_sum3A_453 : vector<128xi32> to vector<128x1xi32>
    %ge3A_455 = arith.constant 2.600000e+01 : f32
    %ge3A_456 = vector.broadcast %ge3A_455 : f32 to vector<128x1xf32>
    %ge3A_457 = arith.cmpf oge, %broadcast_in_dim3A_43, %ge3A_456 : vector<128x1xf32>
    %select_n3A_458 = arith.select %ge3A_457, %broadcast_in_dim3A_454, %broadcast_in_dim3A_59 : vector<128x1xi1>, vector<128x1xi32>
    %eq3A_459 = arith.constant 2.700000e+01 : f32
    %eq3A_460 = vector.broadcast %eq3A_459 : f32 to vector<128x32x128xf32>
    %eq3A_461 = arith.cmpf oeq, %add3A_40, %eq3A_460 : vector<128x32x128xf32>
    %and3A_462 = arith.andi %gt3A_51, %eq3A_461 : vector<128x32x128xi1>
    %jit3A_463 = arith.constant 0 : i32
    %broadcast_in_dim3A_464 = vector.broadcast %jit3A_463 : i32 to vector<128x32x128xi32>
    %select_n3A_465 = arith.select %and3A_462, %add3A_49, %broadcast_in_dim3A_464 : vector<128x32x128xi1>, vector<128x32x128xi32>
    %reduce_sum3A_466 = arith.constant dense<0> : vector<128x32xi32>
    %reduce_sum3A_467 = vector.multi_reduction <add>, %select_n3A_465, %reduce_sum3A_466 [2] : vector<128x32x128xi32> to vector<128x32xi32>
    %reduce_sum3A_468 = arith.constant dense<0> : vector<128xi32>
    %reduce_sum3A_469 = vector.multi_reduction <add>, %reduce_sum3A_467, %reduce_sum3A_468 [1] : vector<128x32xi32> to vector<128xi32>
    %broadcast_in_dim3A_470 = vector.shape_cast %reduce_sum3A_469 : vector<128xi32> to vector<128x1xi32>
    %ge3A_471 = arith.constant 2.700000e+01 : f32
    %ge3A_472 = vector.broadcast %ge3A_471 : f32 to vector<128x1xf32>
    %ge3A_473 = arith.cmpf oge, %broadcast_in_dim3A_43, %ge3A_472 : vector<128x1xf32>
    %select_n3A_474 = arith.select %ge3A_473, %broadcast_in_dim3A_470, %broadcast_in_dim3A_59 : vector<128x1xi1>, vector<128x1xi32>
    %eq3A_475 = arith.constant 2.800000e+01 : f32
    %eq3A_476 = vector.broadcast %eq3A_475 : f32 to vector<128x32x128xf32>
    %eq3A_477 = arith.cmpf oeq, %add3A_40, %eq3A_476 : vector<128x32x128xf32>
    %and3A_478 = arith.andi %gt3A_51, %eq3A_477 : vector<128x32x128xi1>
    %jit3A_479 = arith.constant 0 : i32
    %broadcast_in_dim3A_480 = vector.broadcast %jit3A_479 : i32 to vector<128x32x128xi32>
    %select_n3A_481 = arith.select %and3A_478, %add3A_49, %broadcast_in_dim3A_480 : vector<128x32x128xi1>, vector<128x32x128xi32>
    %reduce_sum3A_482 = arith.constant dense<0> : vector<128x32xi32>
    %reduce_sum3A_483 = vector.multi_reduction <add>, %select_n3A_481, %reduce_sum3A_482 [2] : vector<128x32x128xi32> to vector<128x32xi32>
    %reduce_sum3A_484 = arith.constant dense<0> : vector<128xi32>
    %reduce_sum3A_485 = vector.multi_reduction <add>, %reduce_sum3A_483, %reduce_sum3A_484 [1] : vector<128x32xi32> to vector<128xi32>
    %broadcast_in_dim3A_486 = vector.shape_cast %reduce_sum3A_485 : vector<128xi32> to vector<128x1xi32>
    %ge3A_487 = arith.constant 2.800000e+01 : f32
    %ge3A_488 = vector.broadcast %ge3A_487 : f32 to vector<128x1xf32>
    %ge3A_489 = arith.cmpf oge, %broadcast_in_dim3A_43, %ge3A_488 : vector<128x1xf32>
    %select_n3A_490 = arith.select %ge3A_489, %broadcast_in_dim3A_486, %broadcast_in_dim3A_59 : vector<128x1xi1>, vector<128x1xi32>
    %eq3A_491 = arith.constant 2.900000e+01 : f32
    %eq3A_492 = vector.broadcast %eq3A_491 : f32 to vector<128x32x128xf32>
    %eq3A_493 = arith.cmpf oeq, %add3A_40, %eq3A_492 : vector<128x32x128xf32>
    %and3A_494 = arith.andi %gt3A_51, %eq3A_493 : vector<128x32x128xi1>
    %jit3A_495 = arith.constant 0 : i32
    %broadcast_in_dim3A_496 = vector.broadcast %jit3A_495 : i32 to vector<128x32x128xi32>
    %select_n3A_497 = arith.select %and3A_494, %add3A_49, %broadcast_in_dim3A_496 : vector<128x32x128xi1>, vector<128x32x128xi32>
    %reduce_sum3A_498 = arith.constant dense<0> : vector<128x32xi32>
    %reduce_sum3A_499 = vector.multi_reduction <add>, %select_n3A_497, %reduce_sum3A_498 [2] : vector<128x32x128xi32> to vector<128x32xi32>
    %reduce_sum3A_500 = arith.constant dense<0> : vector<128xi32>
    %reduce_sum3A_501 = vector.multi_reduction <add>, %reduce_sum3A_499, %reduce_sum3A_500 [1] : vector<128x32xi32> to vector<128xi32>
    %broadcast_in_dim3A_502 = vector.shape_cast %reduce_sum3A_501 : vector<128xi32> to vector<128x1xi32>
    %ge3A_503 = arith.constant 2.900000e+01 : f32
    %ge3A_504 = vector.broadcast %ge3A_503 : f32 to vector<128x1xf32>
    %ge3A_505 = arith.cmpf oge, %broadcast_in_dim3A_43, %ge3A_504 : vector<128x1xf32>
    %select_n3A_506 = arith.select %ge3A_505, %broadcast_in_dim3A_502, %broadcast_in_dim3A_59 : vector<128x1xi1>, vector<128x1xi32>
    %eq3A_507 = arith.constant 3.000000e+01 : f32
    %eq3A_508 = vector.broadcast %eq3A_507 : f32 to vector<128x32x128xf32>
    %eq3A_509 = arith.cmpf oeq, %add3A_40, %eq3A_508 : vector<128x32x128xf32>
    %and3A_510 = arith.andi %gt3A_51, %eq3A_509 : vector<128x32x128xi1>
    %jit3A_511 = arith.constant 0 : i32
    %broadcast_in_dim3A_512 = vector.broadcast %jit3A_511 : i32 to vector<128x32x128xi32>
    %select_n3A_513 = arith.select %and3A_510, %add3A_49, %broadcast_in_dim3A_512 : vector<128x32x128xi1>, vector<128x32x128xi32>
    %reduce_sum3A_514 = arith.constant dense<0> : vector<128x32xi32>
    %reduce_sum3A_515 = vector.multi_reduction <add>, %select_n3A_513, %reduce_sum3A_514 [2] : vector<128x32x128xi32> to vector<128x32xi32>
    %reduce_sum3A_516 = arith.constant dense<0> : vector<128xi32>
    %reduce_sum3A_517 = vector.multi_reduction <add>, %reduce_sum3A_515, %reduce_sum3A_516 [1] : vector<128x32xi32> to vector<128xi32>
    %broadcast_in_dim3A_518 = vector.shape_cast %reduce_sum3A_517 : vector<128xi32> to vector<128x1xi32>
    %ge3A_519 = arith.constant 3.000000e+01 : f32
    %ge3A_520 = vector.broadcast %ge3A_519 : f32 to vector<128x1xf32>
    %ge3A_521 = arith.cmpf oge, %broadcast_in_dim3A_43, %ge3A_520 : vector<128x1xf32>
    %select_n3A_522 = arith.select %ge3A_521, %broadcast_in_dim3A_518, %broadcast_in_dim3A_59 : vector<128x1xi1>, vector<128x1xi32>
    %eq3A_523 = arith.constant 3.100000e+01 : f32
    %eq3A_524 = vector.broadcast %eq3A_523 : f32 to vector<128x32x128xf32>
    %eq3A_525 = arith.cmpf oeq, %add3A_40, %eq3A_524 : vector<128x32x128xf32>
    %and3A_526 = arith.andi %gt3A_51, %eq3A_525 : vector<128x32x128xi1>
    %jit3A_527 = arith.constant 0 : i32
    %broadcast_in_dim3A_528 = vector.broadcast %jit3A_527 : i32 to vector<128x32x128xi32>
    %select_n3A_529 = arith.select %and3A_526, %add3A_49, %broadcast_in_dim3A_528 : vector<128x32x128xi1>, vector<128x32x128xi32>
    %reduce_sum3A_530 = arith.constant dense<0> : vector<128x32xi32>
    %reduce_sum3A_531 = vector.multi_reduction <add>, %select_n3A_529, %reduce_sum3A_530 [2] : vector<128x32x128xi32> to vector<128x32xi32>
    %reduce_sum3A_532 = arith.constant dense<0> : vector<128xi32>
    %reduce_sum3A_533 = vector.multi_reduction <add>, %reduce_sum3A_531, %reduce_sum3A_532 [1] : vector<128x32xi32> to vector<128xi32>
    %broadcast_in_dim3A_534 = vector.shape_cast %reduce_sum3A_533 : vector<128xi32> to vector<128x1xi32>
    %ge3A_535 = arith.constant 3.100000e+01 : f32
    %ge3A_536 = vector.broadcast %ge3A_535 : f32 to vector<128x1xf32>
    %ge3A_537 = arith.cmpf oge, %broadcast_in_dim3A_43, %ge3A_536 : vector<128x1xf32>
    %select_n3A_538 = arith.select %ge3A_537, %broadcast_in_dim3A_534, %broadcast_in_dim3A_59 : vector<128x1xi1>, vector<128x1xi32>
    %eq3A_539 = arith.constant 3.200000e+01 : f32
    %eq3A_540 = vector.broadcast %eq3A_539 : f32 to vector<128x32x128xf32>
    %eq3A_541 = arith.cmpf oeq, %add3A_40, %eq3A_540 : vector<128x32x128xf32>
    %and3A_542 = arith.andi %gt3A_51, %eq3A_541 : vector<128x32x128xi1>
    %jit3A_543 = arith.constant 0 : i32
    %broadcast_in_dim3A_544 = vector.broadcast %jit3A_543 : i32 to vector<128x32x128xi32>
    %select_n3A_545 = arith.select %and3A_542, %add3A_49, %broadcast_in_dim3A_544 : vector<128x32x128xi1>, vector<128x32x128xi32>
    %reduce_sum3A_546 = arith.constant dense<0> : vector<128x32xi32>
    %reduce_sum3A_547 = vector.multi_reduction <add>, %select_n3A_545, %reduce_sum3A_546 [2] : vector<128x32x128xi32> to vector<128x32xi32>
    %reduce_sum3A_548 = arith.constant dense<0> : vector<128xi32>
    %reduce_sum3A_549 = vector.multi_reduction <add>, %reduce_sum3A_547, %reduce_sum3A_548 [1] : vector<128x32xi32> to vector<128xi32>
    %broadcast_in_dim3A_550 = vector.shape_cast %reduce_sum3A_549 : vector<128xi32> to vector<128x1xi32>
    %ge3A_551 = arith.constant 3.200000e+01 : f32
    %ge3A_552 = vector.broadcast %ge3A_551 : f32 to vector<128x1xf32>
    %ge3A_553 = arith.cmpf oge, %broadcast_in_dim3A_43, %ge3A_552 : vector<128x1xf32>
    %select_n3A_554 = arith.select %ge3A_553, %broadcast_in_dim3A_550, %broadcast_in_dim3A_59 : vector<128x1xi1>, vector<128x1xi32>
    %concatenate3A = tpu.concatenate %broadcast_in_dim3A_59, %select_n3A_74, %select_n3A_90, %select_n3A_106, %select_n3A_122, %select_n3A_138, %select_n3A_154, %select_n3A_170, %select_n3A_186, %select_n3A_202, %select_n3A_218, %select_n3A_234, %select_n3A_250, %select_n3A_266, %select_n3A_282, %select_n3A_298, %select_n3A_314, %select_n3A_330, %select_n3A_346, %select_n3A_362, %select_n3A_378, %select_n3A_394, %select_n3A_410, %select_n3A_426, %select_n3A_442, %select_n3A_458, %select_n3A_474, %select_n3A_490, %select_n3A_506, %select_n3A_522, %select_n3A_538, %select_n3A_554 in 1 : vector<128x1xi32>, vector<128x1xi32>, vector<128x1xi32>, vector<128x1xi32>, vector<128x1xi32>, vector<128x1xi32>, vector<128x1xi32>, vector<128x1xi32>, vector<128x1xi32>, vector<128x1xi32>, vector<128x1xi32>, vector<128x1xi32>, vector<128x1xi32>, vector<128x1xi32>, vector<128x1xi32>, vector<128x1xi32>, vector<128x1xi32>, vector<128x1xi32>, vector<128x1xi32>, vector<128x1xi32>, vector<128x1xi32>, vector<128x1xi32>, vector<128x1xi32>, vector<128x1xi32>, vector<128x1xi32>, vector<128x1xi32>, vector<128x1xi32>, vector<128x1xi32>, vector<128x1xi32>, vector<128x1xi32>, vector<128x1xi32>, vector<128x1xi32> -> vector<128x32xi32>
    %mul3A_555 = arith.constant 4096 : i32
    %mul3A_556 = arith.muli %arg0, %mul3A_555 : i32
    %add3A_557 = vector.broadcast %mul3A_556 : i32 to vector<128x32xi32>
    %add3A_558 = arith.addi %concatenate3A, %add3A_557 : vector<128x32xi32>
    %swap3A = arith.constant 0 : index
    %swap3A_559 = arith.constant 0 : index
    %swap3A_560 = arith.constant 0 : index
    %swap3A_561 = vector.load %arg4[%swap3A, %swap3A_559, %swap3A_560] : memref<1x128x32xi32, #tpu.memory_space<vmem>>, vector<1x128x32xi32>
    %swap3A_562 = vector.shape_cast %swap3A_561 : vector<1x128x32xi32> to vector<128x32xi32>
    %swap3A_563 = vector.shape_cast %add3A_558 : vector<128x32xi32> to vector<1x128x32xi32>
    tpu.vector_store %arg4[%swap3A, %swap3A_559, %swap3A_560], %swap3A_563 {strides = array<i32>} : memref<1x128x32xi32, #tpu.memory_space<vmem>>, vector<1x128x32xi32>,
    return
  }
  func.func @transform_0(%arg0: i32, %arg1: i32) -> (i32, i32, i32) {
    %c0_i32 = arith.constant 0 : i32
    %c0_i32_0 = arith.constant 0 : i32
    return %arg0, %arg1, %c0_i32 : i32, i32, i32
  }
  func.func @transform_1(%arg0: i32, %arg1: i32) -> (i32, i32, i32) {
    %c0_i32 = arith.constant 0 : i32
    %c0_i32_0 = arith.constant 0 : i32
    %c0_i32_1 = arith.constant 0 : i32
    return %arg0, %c0_i32, %c0_i32_0 : i32, i32, i32
  }
  func.func @transform_2(%arg0: i32, %arg1: i32) -> (i32, i32, i32) {
    %c0_i32 = arith.constant 0 : i32
    %c0_i32_0 = arith.constant 0 : i32
    return %arg0, %arg1, %c0_i32 : i32, i32, i32
  }
}

module attributes {stable_mosaic.version = 14 : i64} {
  func.func @_sa_mlp_body(%arg0: i32, %arg1: memref<128x32x128xf32, #tpu.memory_space<vmem>>, %arg2: memref<128x128xf32, #tpu.memory_space<vmem>>, %arg3: memref<64x128xf32, #tpu.memory_space<vmem>>, %arg4: memref<1x1x64xf32, #tpu.memory_space<vmem>>, %arg5: memref<1x1x64xf32, #tpu.memory_space<vmem>>, %arg6: memref<1x1x64xf32, #tpu.memory_space<vmem>>, %arg7: memref<64x64xf32, #tpu.memory_space<vmem>>, %arg8: memref<1x1x64xf32, #tpu.memory_space<vmem>>, %arg9: memref<1x1x64xf32, #tpu.memory_space<vmem>>, %arg10: memref<1x1x64xf32, #tpu.memory_space<vmem>>, %arg11: memref<128x64xf32, #tpu.memory_space<vmem>>, %arg12: memref<1x1x128xf32, #tpu.memory_space<vmem>>, %arg13: memref<1x1x128xf32, #tpu.memory_space<vmem>>, %arg14: memref<1x1x128xf32, #tpu.memory_space<vmem>>, %arg15: memref<128x128xf32, #tpu.memory_space<vmem>>) attributes {dimension_semantics = [#tpu.dimension_semantics<arbitrary>], iteration_bounds = array<i64: 32>, scalar_prefetch = 0 : i64, scratch_operands = 0 : i64, tpu.core_type = #tpu.core_type<tc>, window_params = [{transform_indices = @transform_0, window_bounds = array<i64: 128, 32, 128>}, {transform_indices = @transform_1, window_bounds = array<i64: 128, 128>}, {pipeline_mode = #tpu.pipeline_mode<synchronous>, transform_indices = @transform_2, window_bounds = array<i64: 64, 128>}, {pipeline_mode = #tpu.pipeline_mode<synchronous>, transform_indices = @transform_3, window_bounds = array<i64: 1, 1, 64>}, {pipeline_mode = #tpu.pipeline_mode<synchronous>, transform_indices = @transform_4, window_bounds = array<i64: 1, 1, 64>}, {pipeline_mode = #tpu.pipeline_mode<synchronous>, transform_indices = @transform_5, window_bounds = array<i64: 1, 1, 64>}, {pipeline_mode = #tpu.pipeline_mode<synchronous>, transform_indices = @transform_6, window_bounds = array<i64: 64, 64>}, {pipeline_mode = #tpu.pipeline_mode<synchronous>, transform_indices = @transform_7, window_bounds = array<i64: 1, 1, 64>}, {pipeline_mode = #tpu.pipeline_mode<synchronous>, transform_indices = @transform_8, window_bounds = array<i64: 1, 1, 64>}, {pipeline_mode = #tpu.pipeline_mode<synchronous>, transform_indices = @transform_9, window_bounds = array<i64: 1, 1, 64>}, {pipeline_mode = #tpu.pipeline_mode<synchronous>, transform_indices = @transform_10, window_bounds = array<i64: 128, 64>}, {pipeline_mode = #tpu.pipeline_mode<synchronous>, transform_indices = @transform_11, window_bounds = array<i64: 1, 1, 128>}, {pipeline_mode = #tpu.pipeline_mode<synchronous>, transform_indices = @transform_12, window_bounds = array<i64: 1, 1, 128>}, {pipeline_mode = #tpu.pipeline_mode<synchronous>, transform_indices = @transform_13, window_bounds = array<i64: 1, 1, 128>}, {transform_indices = @transform_14, window_bounds = array<i64: 128, 128>}]} {
    %get3A = arith.constant 0 : index
    %get3A_0 = arith.constant 0 : index
    %get3A_1 = arith.constant 0 : index
    %get3A_2 = vector.load %arg1[%get3A, %get3A_0, %get3A_1] : memref<128x32x128xf32, #tpu.memory_space<vmem>>, vector<128x32x128xf32>
    %get3A_3 = arith.constant 0 : index
    %get3A_4 = arith.constant 0 : index
    %get3A_5 = vector.load %arg2[%get3A_3, %get3A_4] : memref<128x128xf32, #tpu.memory_space<vmem>>, vector<128x128xf32>
    %broadcast_in_dim3A = vector.shape_cast %get3A_5 : vector<128x128xf32> to vector<128x1x128xf32>
    %sub3A = vector.broadcast %broadcast_in_dim3A : vector<128x1x128xf32> to vector<128x32x128xf32>
    %sub3A_6 = arith.subf %get3A_2, %sub3A : vector<128x32x128xf32>
    %get3A_7 = arith.constant 0 : index
    %get3A_8 = arith.constant 0 : index
    %get3A_9 = vector.load %arg3[%get3A_7, %get3A_8] : memref<64x128xf32, #tpu.memory_space<vmem>>, vector<64x128xf32>
    %dot_general3A = arith.constant dense<0.000000e+00> : vector<128x32x64xf32>
    %dot_general3A_10 = tpu.matmul %sub3A_6, %get3A_9, %dot_general3A {dimension_numbers = #tpu.dot_dimension_numbers<[2], [1], [0, 1], [0], [0, 0, 0, 1, 1, 0], [], []>, transpose_lhs_hint = false} : vector<128x32x128xf32>, vector<64x128xf32>, vector<128x32x64xf32> -> vector<128x32x64xf32>
    %get3A_11 = arith.constant 0 : index
    %get3A_12 = arith.constant 0 : index
    %get3A_13 = arith.constant 0 : index
    %get3A_14 = vector.load %arg4[%get3A_11, %get3A_12, %get3A_13] : memref<1x1x64xf32, #tpu.memory_space<vmem>>, vector<1x1x64xf32>
    %add3A = vector.broadcast %get3A_14 : vector<1x1x64xf32> to vector<128x32x64xf32>
    %add3A_15 = arith.addf %dot_general3A_10, %add3A : vector<128x32x64xf32>
    %max3A = arith.constant 0.000000e+00 : f32
    %max3A_16 = vector.broadcast %max3A : f32 to vector<128x32x64xf32>
    %max3A_17 = arith.maximumf %add3A_15, %max3A_16 : vector<128x32x64xf32>
    %get3A_18 = arith.constant 0 : index
    %get3A_19 = arith.constant 0 : index
    %get3A_20 = arith.constant 0 : index
    %get3A_21 = vector.load %arg5[%get3A_18, %get3A_19, %get3A_20] : memref<1x1x64xf32, #tpu.memory_space<vmem>>, vector<1x1x64xf32>
    %mul3A = vector.broadcast %get3A_21 : vector<1x1x64xf32> to vector<128x32x64xf32>
    %mul3A_22 = arith.mulf %max3A_17, %mul3A : vector<128x32x64xf32>
    %get3A_23 = arith.constant 0 : index
    %get3A_24 = arith.constant 0 : index
    %get3A_25 = arith.constant 0 : index
    %get3A_26 = vector.load %arg6[%get3A_23, %get3A_24, %get3A_25] : memref<1x1x64xf32, #tpu.memory_space<vmem>>, vector<1x1x64xf32>
    %add3A_27 = vector.broadcast %get3A_26 : vector<1x1x64xf32> to vector<128x32x64xf32>
    %add3A_28 = arith.addf %mul3A_22, %add3A_27 : vector<128x32x64xf32>
    %max3A_29 = arith.constant 0.000000e+00 : f32
    %max3A_30 = vector.broadcast %max3A_29 : f32 to vector<128x32x64xf32>
    %max3A_31 = arith.maximumf %add3A_28, %max3A_30 : vector<128x32x64xf32>
    %get3A_32 = arith.constant 0 : index
    %get3A_33 = arith.constant 0 : index
    %get3A_34 = vector.load %arg7[%get3A_32, %get3A_33] : memref<64x64xf32, #tpu.memory_space<vmem>>, vector<64x64xf32>
    %dot_general3A_35 = arith.constant dense<0.000000e+00> : vector<128x32x64xf32>
    %dot_general3A_36 = tpu.matmul %max3A_31, %get3A_34, %dot_general3A_35 {dimension_numbers = #tpu.dot_dimension_numbers<[2], [1], [0, 1], [0], [0, 0, 0, 1, 1, 0], [], []>, transpose_lhs_hint = false} : vector<128x32x64xf32>, vector<64x64xf32>, vector<128x32x64xf32> -> vector<128x32x64xf32>
    %get3A_37 = arith.constant 0 : index
    %get3A_38 = arith.constant 0 : index
    %get3A_39 = arith.constant 0 : index
    %get3A_40 = vector.load %arg8[%get3A_37, %get3A_38, %get3A_39] : memref<1x1x64xf32, #tpu.memory_space<vmem>>, vector<1x1x64xf32>
    %add3A_41 = vector.broadcast %get3A_40 : vector<1x1x64xf32> to vector<128x32x64xf32>
    %add3A_42 = arith.addf %dot_general3A_36, %add3A_41 : vector<128x32x64xf32>
    %max3A_43 = arith.constant 0.000000e+00 : f32
    %max3A_44 = vector.broadcast %max3A_43 : f32 to vector<128x32x64xf32>
    %max3A_45 = arith.maximumf %add3A_42, %max3A_44 : vector<128x32x64xf32>
    %get3A_46 = arith.constant 0 : index
    %get3A_47 = arith.constant 0 : index
    %get3A_48 = arith.constant 0 : index
    %get3A_49 = vector.load %arg9[%get3A_46, %get3A_47, %get3A_48] : memref<1x1x64xf32, #tpu.memory_space<vmem>>, vector<1x1x64xf32>
    %mul3A_50 = vector.broadcast %get3A_49 : vector<1x1x64xf32> to vector<128x32x64xf32>
    %mul3A_51 = arith.mulf %max3A_45, %mul3A_50 : vector<128x32x64xf32>
    %get3A_52 = arith.constant 0 : index
    %get3A_53 = arith.constant 0 : index
    %get3A_54 = arith.constant 0 : index
    %get3A_55 = vector.load %arg10[%get3A_52, %get3A_53, %get3A_54] : memref<1x1x64xf32, #tpu.memory_space<vmem>>, vector<1x1x64xf32>
    %add3A_56 = vector.broadcast %get3A_55 : vector<1x1x64xf32> to vector<128x32x64xf32>
    %add3A_57 = arith.addf %mul3A_51, %add3A_56 : vector<128x32x64xf32>
    %max3A_58 = arith.constant 0.000000e+00 : f32
    %max3A_59 = vector.broadcast %max3A_58 : f32 to vector<128x32x64xf32>
    %max3A_60 = arith.maximumf %add3A_57, %max3A_59 : vector<128x32x64xf32>
    %get3A_61 = arith.constant 0 : index
    %get3A_62 = arith.constant 0 : index
    %get3A_63 = vector.load %arg11[%get3A_61, %get3A_62] : memref<128x64xf32, #tpu.memory_space<vmem>>, vector<128x64xf32>
    %dot_general3A_64 = arith.constant dense<0.000000e+00> : vector<128x32x128xf32>
    %dot_general3A_65 = tpu.matmul %max3A_60, %get3A_63, %dot_general3A_64 {dimension_numbers = #tpu.dot_dimension_numbers<[2], [1], [0, 1], [0], [0, 0, 0, 1, 1, 0], [], []>, transpose_lhs_hint = false} : vector<128x32x64xf32>, vector<128x64xf32>, vector<128x32x128xf32> -> vector<128x32x128xf32>
    %get3A_66 = arith.constant 0 : index
    %get3A_67 = arith.constant 0 : index
    %get3A_68 = arith.constant 0 : index
    %get3A_69 = vector.load %arg12[%get3A_66, %get3A_67, %get3A_68] : memref<1x1x128xf32, #tpu.memory_space<vmem>>, vector<1x1x128xf32>
    %add3A_70 = vector.broadcast %get3A_69 : vector<1x1x128xf32> to vector<128x32x128xf32>
    %add3A_71 = arith.addf %dot_general3A_65, %add3A_70 : vector<128x32x128xf32>
    %max3A_72 = arith.constant 0.000000e+00 : f32
    %max3A_73 = vector.broadcast %max3A_72 : f32 to vector<128x32x128xf32>
    %max3A_74 = arith.maximumf %add3A_71, %max3A_73 : vector<128x32x128xf32>
    %get3A_75 = arith.constant 0 : index
    %get3A_76 = arith.constant 0 : index
    %get3A_77 = arith.constant 0 : index
    %get3A_78 = vector.load %arg13[%get3A_75, %get3A_76, %get3A_77] : memref<1x1x128xf32, #tpu.memory_space<vmem>>, vector<1x1x128xf32>
    %mul3A_79 = vector.broadcast %get3A_78 : vector<1x1x128xf32> to vector<128x32x128xf32>
    %mul3A_80 = arith.mulf %max3A_74, %mul3A_79 : vector<128x32x128xf32>
    %get3A_81 = arith.constant 0 : index
    %get3A_82 = arith.constant 0 : index
    %get3A_83 = arith.constant 0 : index
    %get3A_84 = vector.load %arg14[%get3A_81, %get3A_82, %get3A_83] : memref<1x1x128xf32, #tpu.memory_space<vmem>>, vector<1x1x128xf32>
    %add3A_85 = vector.broadcast %get3A_84 : vector<1x1x128xf32> to vector<128x32x128xf32>
    %add3A_86 = arith.addf %mul3A_80, %add3A_85 : vector<128x32x128xf32>
    %max3A_87 = arith.constant 0.000000e+00 : f32
    %max3A_88 = vector.broadcast %max3A_87 : f32 to vector<128x32x128xf32>
    %max3A_89 = arith.maximumf %add3A_86, %max3A_88 : vector<128x32x128xf32>
    %reduce_max3A = arith.constant dense<0xFF800000> : vector<128x128xf32>
    %reduce_max3A_90 = vector.multi_reduction <maximumf>, %max3A_89, %reduce_max3A [1] : vector<128x32x128xf32> to vector<128x128xf32>
    %swap3A = arith.constant 0 : index
    %swap3A_91 = arith.constant 0 : index
    %swap3A_92 = vector.load %arg15[%swap3A, %swap3A_91] : memref<128x128xf32, #tpu.memory_space<vmem>>, vector<128x128xf32>
    tpu.vector_store %arg15[%swap3A, %swap3A_91], %reduce_max3A_90 {strides = array<i32>} : memref<128x128xf32, #tpu.memory_space<vmem>>, vector<128x128xf32>,
    return
  }
  func.func @transform_0(%arg0: i32) -> (i32, i32, i32) {
    %c0_i32 = arith.constant 0 : i32
    %c0_i32_0 = arith.constant 0 : i32
    %c0_i32_1 = arith.constant 0 : i32
    return %arg0, %c0_i32, %c0_i32_0 : i32, i32, i32
  }
  func.func @transform_1(%arg0: i32) -> (i32, i32) {
    %c0_i32 = arith.constant 0 : i32
    %c0_i32_0 = arith.constant 0 : i32
    return %arg0, %c0_i32 : i32, i32
  }
  func.func @transform_2(%arg0: i32) -> (i32, i32) {
    %c0_i32 = arith.constant 0 : i32
    %c0_i32_0 = arith.constant 0 : i32
    %c0_i32_1 = arith.constant 0 : i32
    return %c0_i32, %c0_i32_0 : i32, i32
  }
  func.func @transform_3(%arg0: i32) -> (i32, i32, i32) {
    %c0_i32 = arith.constant 0 : i32
    %c0_i32_0 = arith.constant 0 : i32
    %c0_i32_1 = arith.constant 0 : i32
    %c0_i32_2 = arith.constant 0 : i32
    return %c0_i32, %c0_i32_0, %c0_i32_1 : i32, i32, i32
  }
  func.func @transform_4(%arg0: i32) -> (i32, i32, i32) {
    %c0_i32 = arith.constant 0 : i32
    %c0_i32_0 = arith.constant 0 : i32
    %c0_i32_1 = arith.constant 0 : i32
    %c0_i32_2 = arith.constant 0 : i32
    return %c0_i32, %c0_i32_0, %c0_i32_1 : i32, i32, i32
  }
  func.func @transform_5(%arg0: i32) -> (i32, i32, i32) {
    %c0_i32 = arith.constant 0 : i32
    %c0_i32_0 = arith.constant 0 : i32
    %c0_i32_1 = arith.constant 0 : i32
    %c0_i32_2 = arith.constant 0 : i32
    return %c0_i32, %c0_i32_0, %c0_i32_1 : i32, i32, i32
  }
  func.func @transform_6(%arg0: i32) -> (i32, i32) {
    %c0_i32 = arith.constant 0 : i32
    %c0_i32_0 = arith.constant 0 : i32
    %c0_i32_1 = arith.constant 0 : i32
    return %c0_i32, %c0_i32_0 : i32, i32
  }
  func.func @transform_7(%arg0: i32) -> (i32, i32, i32) {
    %c0_i32 = arith.constant 0 : i32
    %c0_i32_0 = arith.constant 0 : i32
    %c0_i32_1 = arith.constant 0 : i32
    %c0_i32_2 = arith.constant 0 : i32
    return %c0_i32, %c0_i32_0, %c0_i32_1 : i32, i32, i32
  }
  func.func @transform_8(%arg0: i32) -> (i32, i32, i32) {
    %c0_i32 = arith.constant 0 : i32
    %c0_i32_0 = arith.constant 0 : i32
    %c0_i32_1 = arith.constant 0 : i32
    %c0_i32_2 = arith.constant 0 : i32
    return %c0_i32, %c0_i32_0, %c0_i32_1 : i32, i32, i32
  }
  func.func @transform_9(%arg0: i32) -> (i32, i32, i32) {
    %c0_i32 = arith.constant 0 : i32
    %c0_i32_0 = arith.constant 0 : i32
    %c0_i32_1 = arith.constant 0 : i32
    %c0_i32_2 = arith.constant 0 : i32
    return %c0_i32, %c0_i32_0, %c0_i32_1 : i32, i32, i32
  }
  func.func @transform_10(%arg0: i32) -> (i32, i32) {
    %c0_i32 = arith.constant 0 : i32
    %c0_i32_0 = arith.constant 0 : i32
    %c0_i32_1 = arith.constant 0 : i32
    return %c0_i32, %c0_i32_0 : i32, i32
  }
  func.func @transform_11(%arg0: i32) -> (i32, i32, i32) {
    %c0_i32 = arith.constant 0 : i32
    %c0_i32_0 = arith.constant 0 : i32
    %c0_i32_1 = arith.constant 0 : i32
    %c0_i32_2 = arith.constant 0 : i32
    return %c0_i32, %c0_i32_0, %c0_i32_1 : i32, i32, i32
  }
  func.func @transform_12(%arg0: i32) -> (i32, i32, i32) {
    %c0_i32 = arith.constant 0 : i32
    %c0_i32_0 = arith.constant 0 : i32
    %c0_i32_1 = arith.constant 0 : i32
    %c0_i32_2 = arith.constant 0 : i32
    return %c0_i32, %c0_i32_0, %c0_i32_1 : i32, i32, i32
  }
  func.func @transform_13(%arg0: i32) -> (i32, i32, i32) {
    %c0_i32 = arith.constant 0 : i32
    %c0_i32_0 = arith.constant 0 : i32
    %c0_i32_1 = arith.constant 0 : i32
    %c0_i32_2 = arith.constant 0 : i32
    return %c0_i32, %c0_i32_0, %c0_i32_1 : i32, i32, i32
  }
  func.func @transform_14(%arg0: i32) -> (i32, i32) {
    %c0_i32 = arith.constant 0 : i32
    %c0_i32_0 = arith.constant 0 : i32
    return %arg0, %c0_i32 : i32, i32
  }
}

</mosaic_0001>

<sc_bundles>
// kernel: kernel.6.cloned.1.call-start
scs
__scs_entry_jumppad:
0x0: {  	(pc) =	sbr.rel $0x88, $3  }
0x1: {  	(tag) =	ssettag $0x0;
	lr =	simm.s32 $0x1  }
0x2: {  	[smem:$0x3F94] =	sst lr;
	_ =	strace $0xD0000000  }
0x3: {  	_ = 	snop  }
0x4: {  	_ = 	snop  }
0x5: {  	_ = 	snop  }
0x6: {  	_ = 	snop  }
0x7: {  	_ = 	snop  }
__scs_overlays_trampoline_lowered:
0x8: {  	[smem:$0x3FA3] =	sst s0  }
0x9: {  	[smem:$0x3FA4] =	sst s1  }
0xa: {  	[smem:$0x3FA5] =	sst s2  }
0xb: {  	[smem:$0x3FA6] =	sst s3  }
0xc: {  	[smem:$0x3FA7] =	sst s4  }
0xd: {  	[smem:$0x3FA8] =	sst s5  }
0xe: {  	[smem:$0x3FA9] =	sst s6  }
0xf: {  	[smem:$0x3FAA] =	sst s7  }
0x10: {  	[smem:$0x3FAB] =	sst s8  }
0x11: {  	[smem:$0x3FAC] =	sst s9;
	s0 =	simm.s32 @!p0 $0x0  }
0x12: {  	s1 =	sld [smem:$0x3F92];
	s0 =	simm.s32 @p0 $0x1  }
0x13: {  	[smem:$0x3FAD] =	sst s0;
	s0 =	simm.s32 @!p1 $0x0  }
0x14: {  	s2 =	sld [smem:$0x3F91];
	s0 =	simm.s32 @p1 $0x1  }
0x15: {  	[smem:$0x3FAE] =	sst s0;
	s0 =	simm.s32 @!p2 $0x0  }
0x16: {  	s3 =	sld [smem:$0x3FDB];
	s0 =	simm.s32 @p2 $0x1  }
0x17: {  	s4 =	simm.s32 $0x1BF5;
	[smem:$0x3FB0] =	sst s0  }
0x18: {  	s0 =	sld [smem:$0x3F93];
	_ =	swait.ge [sflag:s4], $0x0  }
0x19: {  	s7 =	sld [smem:$0x3F94]  }
0x1a: {  	s8 =	sadd.s32 $0xFFFFE003, lr  }
0x1b: {  	s9 =	sadd.s32 $0xFFFFFEF7, lr;
	s5 =	simm.s32 $0xFFFFFFFF;
	p2 =	slt.u32 s8, $0xFFFFF086  }
0x1c: {  	p1 =	slt.u32 s9, $0xF7A;
	s5 =	simm.s32 @!p2 $0x0  }
0x1d: {  	s5 =	simm.s32 @p1 $0x1;
	p0 =	seq.s32 s7, s2  }
0x1e: {  	s7 =	smul.u32 @!p0 $0xF7A, s2;
	p2 =	seq.s32 @!p0 s5, $0x0  }
0x1f: {  	s9 =	smul.u32 $0xF7A, s1;
	s8 =	simm.s32 @!p0 $0x1BF5;
	p2 =	por !p2, p0  }
0x20: {  	[sflag:s8] =	ssyncset.s32 @!p0 $0xFFFFF086;
	s6 =	sadd.s32 @!p0 s3, s7;
	s7 =	simm.s32 @!p0 $0x108  }
0x21: {  	s3 =	sadd.s32 s3, s9;
	s6 =	sadd.s32 @!p0 $0x88, s6;
	s7 =	simm.s32 @p2 $0x1082  }
0x22: {  	[simem:s7], [sflag:s8] =	dma.local @!p0 [hbm:s6], $0xF7A  }
0x23: {  	s9 =	sor.u32 $0xD0000000, s2;
	s6 =	simm.s32 $0x108;
	_ =	swait.ge @!p0 [sflag:s8], $0x0  }
0x24: {  	s3 =	sadd.s32 $0x88, s3;
	s6 =	simm.s32 @!p1 $0x1082;
	[sflag:s4] =	ssyncset.s32 $0xFFFFF086  }
0x25: {  	[simem:s6], [sflag:s4] =	dma.local [hbm:s3], $0xF7A  }
0x26: {  	[smem:$0x3F94] =	sst s1;
	(tag) =	ssettag s2;
	_ =	strace s9  }
0x27: {  	s1 =	sld [smem:$0x3FA4]  }
0x28: {  	s2 =	sld [smem:$0x3FA5]  }
0x29: {  	s4 =	sld [smem:$0x3FA7]  }
0x2a: {  	p0 =	seq.s32 s5, $0x0;
	s5 =	sld [smem:$0x3FA8]  }
0x2b: {  	s6 =	sld [smem:$0x3FA9]  }
0x2c: {  	s7 =	sld [smem:$0x3FAA]  }
0x2d: {  	s3 =	simm.s32 $0x108;
	s8 =	sld [smem:$0x3FAB]  }
0x2e: {  	s3 =	simm.s32 @!p0 $0x1082;
	s9 =	sld [smem:$0x3FAC]  }
0x2f: {  	lr =	sadd.s32 s0, s3;
	s0 =	sld [smem:$0x3FA3]  }
0x30: {  	s3 =	sld [smem:$0x3FA6]  }
0x31: {  	[smem:$0x3FAF] =	sst s10  }
0x32: {  	s10 =	sld [smem:$0x3FAD];
	_ =	sdelay $0x3  }
0x33: {  	p0 =	seq.s32 s10, $0x1;
	s10 =	sld [smem:$0x3FAF];
	_ =	sdelay $0x3  }
0x34: {  	[smem:$0x3FAF] =	sst s10  }
0x35: {  	s10 =	sld [smem:$0x3FAE];
	_ =	sdelay $0x3  }
0x36: {  	p1 =	seq.s32 s10, $0x1;
	s10 =	sld [smem:$0x3FAF];
	_ =	sdelay $0x3  }
0x37: {  	[smem:$0x3FAF] =	sst s10  }
0x38: {  	s10 =	sld [smem:$0x3FB0]  }
0x39: {  	_ = 	snop;
	(pc) =	sbr.ind lr, $3  }
0x3a: {  	_ = 	snop  }
0x3b: {  	_ = 	snop  }
0x3c: {  	p2 =	seq.s32 s10, $0x1;
	s10 =	sld [smem:$0x3FAF]  }
0x3d: {  	_ =	shalt  }
0x3e: {  	_ =	shalt  }
0x3f: {  	_ =	shalt  }
0x40: {  	_ =	shalt  }
0x41: {  	_ =	shalt  }
0x42: {  	_ =	shalt  }
0x43: {  	_ =	shalt  }
0x44: {  	_ =	shalt  }
0x45: {  	_ =	shalt  }
0x46: {  	_ =	shalt  }
0x47: {  	_ =	shalt  }
0x48: {  	_ =	shalt  }
0x49: {  	_ =	shalt  }
0x4a: {  	_ =	shalt  }
0x4b: {  	_ =	shalt  }
0x4c: {  	_ =	shalt  }
0x4d: {  	_ =	shalt  }
0x4e: {  	_ =	shalt  }
0x4f: {  	_ =	shalt  }
0x50: {  	_ =	shalt  }
0x51: {  	_ =	shalt  }
0x52: {  	_ =	shalt  }
0x53: {  	_ =	shalt  }
0x54: {  	_ =	shalt  }
0x55: {  	_ =	shalt  }
0x56: {  	_ =	shalt  }
0x57: {  	_ =	shalt  }
0x58: {  	_ =	shalt  }
0x59: {  	_ =	shalt  }
0x5a: {  	_ =	shalt  }
0x5b: {  	_ =	shalt  }
0x5c: {  	_ =	shalt  }
0x5d: {  	_ =	shalt  }
0x5e: {  	_ =	shalt  }
0x5f: {  	_ =	shalt  }
0x60: {  	_ =	shalt  }
0x61: {  	_ =	shalt  }
0x62: {  	_ =	shalt  }
0x63: {  	_ =	shalt  }
0x64: {  	_ =	shalt  }
0x65: {  	_ =	shalt  }
0x66: {  	_ =	shalt  }
0x67: {  	_ =	shalt  }
0x68: {  	_ =	shalt  }
0x69: {  	_ =	shalt  }
0x6a: {  	_ =	shalt  }
0x6b: {  	_ =	shalt  }
0x6c: {  	_ =	shalt  }
0x6d: {  	_ =	shalt  }
0x6e: {  	_ =	shalt  }
0x6f: {  	_ =	shalt  }
0x70: {  	_ =	shalt  }
0x71: {  	_ =	shalt  }
0x72: {  	_ =	shalt  }
0x73: {  	_ =	shalt  }
0x74: {  	_ =	shalt  }
0x75: {  	_ =	shalt  }
0x76: {  	_ =	shalt  }
0x77: {  	_ =	shalt  }
0x78: {  	_ =	shalt  }
0x79: {  	_ =	shalt  }
0x7a: {  	_ =	shalt  }
0x7b: {  	_ =	shalt  }
0x7c: {  	_ =	shalt  }
0x7d: {  	_ =	shalt  }
0x7e: {  	_ =	shalt  }
0x7f: {  	_ =	shalt  }
0x80: {  	_ =	shalt  }
0x81: {  	_ =	shalt  }
0x82: {  	_ =	shalt  }
0x83: {  	_ =	shalt  }
0x84: {  	_ =	shalt  }
0x85: {  	_ =	shalt  }
0x86: {  	_ =	shalt  }
0x87: {  	_ =	shalt  }
.Lfunc_end0:
.L_simem_size_0:
called_computation_lowered:
.L_overlay_start_0:
0x88: {  	s2 =	sld [smem:$0x3FD9]  }
0x89: {  	s3 =	sld [smem:$0x3FFE];
	_ =	sdelay $0x1  }
0x8a: {  	s1 =	srdreg.scid  }
0x8b: {  	s0 =	sand.u32 $0x1, s1  }
0x8c: {  	s17 =	sshll.u32 s0, $0xA;
	s2 =	sadd.s32 s3, s2  }
0x8d: {  	s2 =	sadd.s32 s2, s17  }
0x8e: {  	[smem:$0x3FBB] =	sst s2  }
0x8f: {  	_ = 	snop  }
0x90: {  	s2 =	sld [smem:$0x3FD0];
	(tm) =	ssettm $0x1  }
0x91: {  	s18 =	sld [smem:$0x3FFB];
	_ =	sdelay $0x3  }
0x92: {  	_ =	strace s18  }
0x93: {  	s3 =	sld [smem:$0x3FFC];
	_ =	sdelay $0x3  }
0x94: {  	_ =	strace s3  }
0x95: {  	s3 =	sld [smem:$0x3FFD];
	_ =	sdelay $0x3  }
0x96: {  	_ =	strace s3  }
0x97: {  	_ =	strace $0x8FFFFFFF  }
0x98: {  	s19 =	sld [smem:$0x3FDB];
	_ =	sdelay $0x1  }
0x99: {  	s4 =	simm.s32 $_scs_section_size  }
0x9a: {  	s5 =	simm.s32 $_size__tile_overlayer_lowered;
	s6 =	simm.s32 $_tile_overlayer_lowered  }
0x9b: {  	s22 =	simm.s32 $0x1BFF;
	s21 =	sshll.u32 s6, $0x1;
	s3 =	sadd.s32 s4, s19  }
0x9c: {  	s7 =	simm.s32 $0x0;
	s20 =	sshll.u32 s5, $0x1;
	s5 =	sadd.s32 s21, s3  }
0x9d: {  	[timem:s7], [sflag:s22] =	dma.local [hbm:s5], s20  }
0x9e: {  	_ =	swait.ge [sflag:s22], s20  }
0x9f: {  	s4 =	ssub.s32 $0x0, s20;
	[sflag:s22] =	ssyncset.done $0x0  }
0xa0: {  	[sflag:s22] =	ssyncadd.s32 s4;
	_ =	sdelay $0x1  }
0xa1: {  	s23 =	simm.s32 $0x1B8B  }
0xa2: {  	_ =	swait.ge [sflag:s23], $0x1  }
0xa3: {  	[sflag:s23] =	ssyncset.done $0x0  }
0xa4: {  	s25 =	simm.s32 $0x1B8E;
	s24 =	sld [smem:$0x3FFE];
	[sflag:s23] =	ssyncadd.s32 $0xFFFFFFFF  }
0xa5: {  	s26 =	simm.s32 $execute0_lowered;
	[smem:$0x3FD2] =	sst s25  }
0xa6: {  	s5 =	sshll.u32 s26, $0x1;
	_ =	strace $0x80000046;
	[dreg:$0x1] =	wrdreg $0xFFFFFFFF  }
0xa7: {  	s28 =	simm.s32 $_size_execute0_lowered;
	s3 =	sadd.s32 s3, s5;
	[dreg:$0x0] =	wrdreg $0x0  }
0xa8: {  	s5 =	sshll.u32 s28, $0x1;
	[dreg:$0x2] =	wrdreg s3  }
0xa9: {  	[dreg:$0x3] =	wrdreg s5  }
0xaa: {  	[dreg:$0x4] =	wrdreg $0xC0  }
0xab: {  	_ =	task [dreg:s7], $0x5FFFF  }
0xac: {  	[dreg:$0x1] =	wrdreg $0xFFFFFFFF  }
0xad: {  	[dreg:$0x0] =	wrdreg $0x60  }
0xae: {  	[dreg:$0x2] =	wrdreg s24  }
0xaf: {  	[dreg:$0x3] =	wrdreg s2  }
0xb0: {  	[dreg:$0x4] =	wrdreg $0x9  }
0xb1: {  	_ =	task.clear_ibuf [dreg:s7], $0x5FFFF;
	_ =	strace $0x90000046  }
0xb2: {  	s29 =	simm.s32 $0x9;
	_ =	strace $0x80000048  }
0xb3: {  	_ =	swait.ge [sflag:s29], $0x1  }
0xb4: {  	[sflag:s29] =	ssyncadd.s32 $0xFFFFFFFF  }
0xb5: {  	_ =	strace $0x90000048  }
0xb6: {  	_ =	sfence  }
0xb7: {  	s30 =	sld [smem:$0x0];
	_ =	sdelay $0x2  }
0xb8: {  	s31 =	sshll.u32 s1, $0xD;
	s1 =	sshrl.u32 s1, $0x2  }
0xb9: {  	s3 =	sand.u32 $0x4000, s31;
	s1 =	sadd.s32 s1, s30  }
0xba: {  	s0 =	sor.u32 s3, s0;
	s1 =	sshll.u32 s1, $0x11  }
0xbb: {  	s0 =	sor.u32 s1, s0  }
0xbc: {  	s0 =	sadd.s32 $0x8F2B, s0  }
0xbd: {  	[sflag:s0] =	ssyncadd.remote.s32 $0x1  }
0xbe: {  	_ =	sfence.sel $0xFFFF  }
0xbf: {  	[dreg:$0x0] =	wrdreg $0xFFFFFFFF;
	(pc) =	sbr.abs _section_cstart, $3  }
0xc0: {  	[dreg:$0x1] =	wrdreg $0xFFFFFFFF  }
0xc1: {  	_ =	task.clear_ibuf [dreg:s7], $0x2FFFF;
	_ =	strace $0x9FFFFFFF  }
0xc2: {  	(tm) =	ssettm $0x7FFFFFFF  }
0xc3: {  	_ =	shalt  }
tec
execute0_lowered:
.L_overlay_start_1:
0x0: {  	(tag) =	ssettag $0x1  }
0x1: {  	s4 =	rddreg [dreg:$0x0]  }
0x2: {  	s6 =	rddreg [dreg:$0x1]  }
0x3: {  	s0 =	rddreg [dreg:$0x2];
	s2 =	simm.s32 $0x0;
	s1 =	stileid.u32  }
0x4: {  	s3 =	srdreg.scid;
	[smem:$0x7FF] =	sst s2  }
0x5: {  	s5 =	sshll.u32 s1, $0x11;
	s7 =	sand.u32 $0x1, s3;
	s3 =	sadd.s32 $0x1E00, s4  }
0x6: {  	s9 =	sshll.u32 s1, $0xD;
	_ =	strace $0x80000047;
	s5 =	sadd.s32 s5, s4  }
0x7: {  	s29 =	ssub.s32 $0x2, s7;
	s10 =	sshll.u32 s7, $0xC;
	s7 =	sshll.u32 s7, $0x10  }
0x8: {  	s8 =	sshrl.u32 s29, $0x1;
	s30 =	sor.u32 s10, s9;
	s5 =	sadd.s32 s7, s5  }
0x9: {  	s7 =	simm.s32 $0x2;
	s9 =	simm.s32 $0x1;
	s10 =	simm.s32 $0x0  }
0xa: {  	s4 =	ssub.s32 s29, s8;
	s31 =	sshrl.u32 s30, $0x3;
	s5 =	sadd.s32 $0x41E00, s5  }
0xb: {  	s8 =	simm.s32 $0x80;
	s4 =	smax.u32 s4, $0x1;
	s6 =	sadd.s32 s31, s6  }
.LBB2_1:
0xc: {  	s11 =	sadd.s32 $0x0, s6  }
0xd: {  	[tilespmem:s2], [sflag:$0x2] =	stream.linear.gather [hbm4b:s11+s2], $0x80, $0x38;
	[tilespmem:$0x4080] =	vst v63  }
0xe: {  	_ =	swait.ge [sflag:s7], $0x80  }
0xf: {  	[sflag:s7] =	ssyncset.done $0x0  }
0x10: {  	[sflag:s7] =	ssyncadd.s32 $0xFFFFFF80  }
0x11: {  	[tilespmem:s8], [sflag:$0x1] =	stream.indirect.gather [hbm4b:s3+s8], $0x80, s2, s8, $0xb8;
	[tilespmem:$0x4080] =	vst v63  }
0x12: {  	_ =	swait.ge [sflag:s9], $0x4000  }
0x13: {  	[sflag:s9] =	ssyncset.done $0x0  }
0x14: {  	[sflag:s9] =	ssyncadd.s32 $0xFFFFC000  }
0x15: {  	[hbm4b:s5+s2] =	stream.linear.scatter [tilespmem:s8], [sflag:$0x2], $0x4000, $0x38;
	[tilespmem:$0x4080] =	vst v63  }
0x16: {  	s12 =	simm.s32 $0x10;
	_ =	swait.ge [sflag:s7], $0x4000  }
0x17: {  	s13 =	simm.s32 $0x20;
	s11 =	sadd.s32 $0x800, s5;
	[sflag:s7] =	ssyncset.done $0x0  }
.LBB2_2:
0x18: {  	s14 =	sadd.s32 s12, s6  }
0x19: {  	[sflag:s7] =	ssyncadd.s32 $0xFFFFC000;
	s12 =	smov.u32 s13;
	s15 =	sadd.s32 $0x10, s13  }
0x1a: {  	[tilespmem:s2], [sflag:$0x2] =	stream.linear.gather [hbm4b:s14+s2], $0x80, $0x38;
	[tilespmem:$0x4080] =	vst v63  }
0x1b: {  	p0 =	sne.s32 s13, $0x1F0;
	_ =	swait.ge [sflag:s7], $0x80  }
0x1c: {  	[sflag:s7] =	ssyncset.done $0x0  }
0x1d: {  	[sflag:s7] =	ssyncadd.s32 $0xFFFFFF80  }
0x1e: {  	[tilespmem:s8], [sflag:$0x1] =	stream.indirect.gather [hbm4b:s3+s8], $0x80, s2, s8, $0xb8;
	[tilespmem:$0x4080] =	vst v63  }
0x1f: {  	_ =	swait.ge [sflag:s9], $0x4000  }
.Ltmp0:
0x20: {  	[sflag:s9] =	ssyncset.done $0x0;
	(pc) =	sbr.rel @p0 .LBB2_2-.Ltmp0, $4  }
0x21: {  	[sflag:s9] =	ssyncadd.s32 $0xFFFFC000  }
0x22: {  	[hbm4b:s11+s2] =	stream.linear.scatter [tilespmem:s8], [sflag:$0x2], $0x4000, $0x38;
	[tilespmem:$0x4080] =	vst v63  }
0x23: {  	_ =	swait.ge [sflag:s7], $0x4000  }
0x24: {  	s13 =	smov.u32 s15;
	s11 =	sadd.s32 $0x800, s11;
	[sflag:s7] =	ssyncset.done $0x0  }
0x25: {  	s12 =	sadd.s32 s12, s6;
	[sflag:s7] =	ssyncadd.s32 $0xFFFFC000  }
0x26: {  	[tilespmem:s2], [sflag:$0x2] =	stream.linear.gather [hbm4b:s12+s2], $0x80, $0x38;
	[tilespmem:$0x4080] =	vst v63  }
0x27: {  	_ =	swait.ge [sflag:s7], $0x80  }
0x28: {  	[sflag:s7] =	ssyncset.done $0x0  }
0x29: {  	[sflag:s7] =	ssyncadd.s32 $0xFFFFFF80  }
0x2a: {  	[tilespmem:s8], [sflag:$0x1] =	stream.indirect.gather [hbm4b:s3+s8], $0x80, s2, s8, $0xb8;
	[tilespmem:$0x4080] =	vst v63  }
0x2b: {  	s10 =	sadd.s32 $0x1, s10;
	_ =	swait.ge [sflag:s9], $0x4000  }
0x2c: {  	p0 =	sne.s32 s10, s4;
	[sflag:s9] =	ssyncset.done $0x0  }
.Ltmp1:
0x2d: {  	[sflag:s9] =	ssyncadd.s32 $0xFFFFC000;
	(pc) =	sbr.rel @p0 .LBB2_1-.Ltmp1, $4  }
0x2e: {  	[hbm4b:s11+s2] =	stream.linear.scatter [tilespmem:s8], [sflag:$0x2], $0x4000, $0x38;
	[tilespmem:$0x4080] =	vst v63  }
0x2f: {  	_ =	swait.ge [sflag:s7], $0x4000  }
0x30: {  	[sflag:s7] =	ssyncset.done $0x0  }
0x31: {  	[sflag:s7] =	ssyncadd.s32 $0xFFFFC000  }
0x32: {  	_ =	sfence.sel $0x180000  }
0x33: {  	[bflag:$0x0] =	sbarrier.arrive $0xFFFF  }
0x34: {  	p0 =	sne.s32 s1, $0x0;
	_ =	strace $0x90000047  }
0x35: {  	s0 =	sadd.s32 @!p0 $0x100000, s0;
	[bflag:$0x2] =	sbarrier.arrive $0xFFFF  }
0x36: {  	[sflag:s0] =	ssyncadd.tile.s32 @!p0 $0x1;
	_ =	shalt  }
.Lfunc_end2:
_tile_overlayer_lowered:
.L_overlay_start_2:
0x37: {  	(tag) =	ssettag $0x2  }
0x38: {  	s0 =	rddreg [dreg:$0x0];
	s2 =	stileid.u32  }
0x39: {  	s1 =	rddreg [dreg:$0x1];
	p0 =	sne.s32 s2, $0x0  }
0x3a: {  	s3 =	rddreg [dreg:$0x2];
	[bflag:$0x3] =	sbarrier.arrive $0xFFFF;
	s2 =	simm.s32 @!p0 $0x1C02  }
0x3b: {  	[timem:s3], [sflag:s2] =	dma.local @!p0 [hbm:s0], s1  }
0x3c: {  	s0 =	simm.s32 @!p0 $0x2  }
0x3d: {  	_ =	swait.ge @!p0 [sflag:s0], s1  }
0x3e: {  	s1 =	ssub.s32 @!p0 $0x0, s1;
	[sflag:s0] =	ssyncset.done @!p0 $0x0  }
0x3f: {  	[sflag:s0] =	ssyncadd.s32 @!p0 s1  }
0x40: {  	[bflag:$0x3] =	sbarrier.arrive $0xFFFF  }
0x41: {  	_ =	shalt  }

</sc_bundles>
